<compile_context>
chip_gen: v7x
topology: tpu7x:2x2x1
jax: 0.10.2.dev20260603
libtpu: 0.0.44.dev20260713+nightly
codegen_flags: <defaults>
</compile_context>

<pallas_src>
import jax
import jax.numpy as jnp
from jax import lax
from jax.experimental import pallas as pl
from jax.experimental.pallas import tpu as pltpu
from jax.experimental.pallas import tpu_sc as plsc

K_HOPS = 10
ALPHA = 0.1


def _mlp_body(x_ref, w1_ref, b1_ref, w2_ref, b2_ref, out_ref):
    h = jnp.dot(x_ref[...], w1_ref[...], preferred_element_type=jnp.float32)
    h = jnp.maximum(h + b1_ref[...], 0.0)
    out_ref[...] = (
        jnp.dot(h, w2_ref[...], preferred_element_type=jnp.float32) + b2_ref[...]
    )


def _logsoftmax_body(g0_ref, g1_ref, sq_ref, out_ref):
    f = jnp.concatenate([g0_ref[0], g1_ref[0]], axis=-1) * sq_ref[...]
    m = jnp.max(f, axis=-1, keepdims=True)
    e = jnp.exp(f - m)
    out_ref[...] = (f - m) - jnp.log(jnp.sum(e, axis=-1, keepdims=True))


def _make_sc_kernel(NP, NT, CH, HALF):
    HP = NP // 2
    HR = HP // 128
    NR = NT // 128
    CG = CH // 8
    OMA = 1.0 - ALPHA
    mesh = plsc.VectorSubcoreMesh(core_axis_name="c", subcore_axis_name="s")

    def body(h_ref, src_ref, dst_ref, g_out, sq_out,
             sidx, didx, g_sl, h2_sl, aggb, rowbuf,
             hist, zbuf, idxdeg, dout2d, din2d, sq2d, w1d,
             g_sh, agg_sh, deg_sh):
        c = lax.axis_index("c")
        s = lax.axis_index("s")
        r0 = s * NT

        zeros16 = jnp.zeros((16,), jnp.float32)
        ones16 = jnp.ones((16,), jnp.float32)
        iota16 = lax.iota(jnp.int32, 16)

        def vloop(n, f):
            lax.fori_loop(0, n, lambda i, _: (f(i), 0)[1], 0)

        def zz(i):
            zbuf[i >> 3, pl.ds((i & 7) * 16, 16)] = zeros16
        vloop(128, zz)
        pltpu.sync_copy(zbuf, deg_sh.at[pl.ds(16 * s, 16)])
        pltpu.sync_copy(h_ref.at[c, pl.ds(r0, NT)], aggb)
        plsc.subcore_barrier()

        def hscan(idx_ref, lo, base_row):
            def zh(i):
                hist[i >> 3, pl.ds((i & 7) * 16, 16)] = zeros16
            vloop((HR + 8) * 8, zh)

            def grp(gi):
                pltpu.sync_copy(idx_ref.at[pl.ds(s * CH + gi * 8, 8)], sidx)

                def vstep(i):
                    v = sidx[i >> 3, pl.ds((i & 7) * 16, 16)] - lo
                    m = (v >= 0) & (v < HP)
                    plsc.addupdate_scatter(
                        hist, [v >> 7, v & 127], ones16, mask=m)
                vloop(64, vstep)
            vloop(CG, grp)

            def widx(i):
                idxdeg[0, pl.ds(i * 16, 16)] = iota16 + (base_row + i * 16)
            vloop((HR + 8) // 16, widx)
            pltpu.sync_copy(hist, deg_sh.at[idxdeg.at[0]], add=True)

        hscan(src_ref, 0, 0)
        hscan(src_ref, HP, HR)
        hscan(dst_ref, 0, 128)
        hscan(dst_ref, HP, 128 + HR)
        plsc.subcore_barrier()

        pltpu.sync_copy(deg_sh.at[pl.ds(NR * s, NR)], dout2d)
        pltpu.sync_copy(deg_sh.at[pl.ds(128 + NR * s, NR)], din2d)

        def rsqrt16(d):
            i = plsc.bitcast(d, jnp.int32)
            y = plsc.bitcast(jnp.int32(0x5F3759DF) - (i >> 1), jnp.float32)
            for _ in range(3):
                y = y * (1.5 - 0.5 * d * y * y)
            return y

        def nv(j):
            r = j >> 3
            sl = pl.ds((j & 7) * 16, 16)
            d = dout2d[r, sl] + 1.0
            y = rsqrt16(d)
            sq2d[r, sl] = d * y
            dout2d[r, sl] = y
            din2d[r, sl] = rsqrt16(din2d[r, sl] + 1.0)
            w1d[pl.ds(j * 16, 16)] = y * din2d[r, sl]
        vloop(NT // 16, nv)

        @pl.when(c == 0)
        def _():
            pltpu.sync_copy(sq2d, sq_out.at[pl.ds(NR * s, NR)])

        def irow(i):
            rv = jnp.full((16,), i >> 7, jnp.int32)
            cv = jnp.full((16,), i & 127, jnp.int32)
            dsp = plsc.load_gather(dout2d, [rv, cv])
            for off in (0, HALF // 2):
                sl = pl.ds(off, HALF // 2)
                gv = dsp * aggb[i, sl]
                g_sl[i, sl] = gv
                h2_sl[i, sl] = ALPHA * gv
        vloop(NT, irow)

        def zrow(i):
            aggb[i, pl.ds(0, HALF // 2)] = zeros16
            aggb[i, pl.ds(HALF // 2, HALF // 2)] = zeros16
        vloop(NT, zrow)
        pltpu.sync_copy(aggb, agg_sh.at[pl.ds(r0, NT)])
        pltpu.sync_copy(g_sl, g_sh.at[pl.ds(r0, NT)])
        plsc.subcore_barrier()

        def kstep(k, _):
            def grp(gi):
                base = s * CH + gi * 8
                pltpu.sync_copy(src_ref.at[pl.ds(base, 8)], sidx)
                pltpu.sync_copy(dst_ref.at[pl.ds(base, 8)], didx)
                for jj in range(8):
                    pltpu.sync_copy(g_sh.at[sidx.at[jj]], rowbuf)
                    pltpu.sync_copy(rowbuf, agg_sh.at[didx.at[jj]], add=True)
            vloop(CG, grp)
            plsc.subcore_barrier()

            pltpu.sync_copy(agg_sh.at[pl.ds(r0, NT)], aggb)

            def crow(i):
                wv = plsc.load_gather(w1d, [jnp.full((16,), i, jnp.int32)])
                for off in (0, HALF // 2):
                    sl = pl.ds(off, HALF // 2)
                    g_sl[i, sl] = (
                        OMA * wv * (aggb[i, sl] + g_sl[i, sl]) + h2_sl[i, sl]
                    )
                    aggb[i, sl] = zeros16
            vloop(NT, crow)

            pltpu.sync_copy(aggb, agg_sh.at[pl.ds(r0, NT)])
            pltpu.sync_copy(g_sl, g_sh.at[pl.ds(r0, NT)])
            plsc.subcore_barrier()
            return 0
        lax.fori_loop(0, K_HOPS, kstep, 0)

        pltpu.sync_copy(g_sl, g_out.at[c, pl.ds(r0, NT)])

    return pl.kernel(
        body,
        out_type=(
            jax.ShapeDtypeStruct((2, NP, HALF), jnp.float32),
            jax.ShapeDtypeStruct((NP // 128, 128), jnp.float32),
        ),
        mesh=mesh,
        compiler_params=pltpu.CompilerParams(
            needs_layout_passes=False, use_tc_tiling_on_sc=False),
        scratch_types=[
            pltpu.VMEM((8, 128), jnp.int32),
            pltpu.VMEM((8, 128), jnp.int32),
            pltpu.VMEM((NT, HALF), jnp.float32),
            pltpu.VMEM((NT, HALF), jnp.float32),
            pltpu.VMEM((NT, HALF), jnp.float32),
            pltpu.VMEM((128, HALF), jnp.float32),
            pltpu.VMEM((HR + 8, 128), jnp.float32),
            pltpu.VMEM((16, 128), jnp.float32),
            pltpu.VMEM((1, HR + 8), jnp.int32),
            pltpu.VMEM((NR, 128), jnp.float32),
            pltpu.VMEM((NR, 128), jnp.float32),
            pltpu.VMEM((NR, 128), jnp.float32),
            pltpu.VMEM((NT,), jnp.float32),
            pltpu.VMEM_SHARED((NP, HALF), jnp.float32),
            pltpu.VMEM_SHARED((NP, HALF), jnp.float32),
            pltpu.VMEM_SHARED((256, 128), jnp.float32),
        ],
    )


def kernel(x, edge_index, W1, b1, W2, b2):
    N, D = x.shape
    H = W1.shape[1]
    C = W2.shape[1]
    E = edge_index.shape[1]
    HALF = C // 2

    NT = -(-(N + 1) // (16 * 128)) * 128
    NP = 16 * NT
    CH = -(-(-(-E // 16)) // 1024) * 8
    EP = 16 * CH * 128

    BR = NT
    x_pad = jnp.concatenate([x, jnp.zeros((NP - N, D), x.dtype)])
    h = pl.pallas_call(
        _mlp_body,
        grid=(NP // BR,),
        in_specs=[
            pl.BlockSpec((BR, D), lambda i: (i, 0)),
            pl.BlockSpec((D, H), lambda i: (0, 0)),
            pl.BlockSpec((1, H), lambda i: (0, 0)),
            pl.BlockSpec((H, C), lambda i: (0, 0)),
            pl.BlockSpec((1, C), lambda i: (0, 0)),
        ],
        out_specs=pl.BlockSpec((BR, C), lambda i: (i, 0)),
        out_shape=jax.ShapeDtypeStruct((NP, C), jnp.float32),
    )(x_pad, W1, b1.reshape(1, H), W2, b2.reshape(1, C))
    h_pair = jnp.stack([h[:, :HALF], h[:, HALF:]])

    pad = jnp.full((EP - E,), N, jnp.int32)
    src2d = jnp.concatenate([edge_index[0], pad]).reshape(-1, 128)
    dst2d = jnp.concatenate([edge_index[1], pad]).reshape(-1, 128)

    g_pair, sq = _make_sc_kernel(NP, NT, CH, HALF)(h_pair, src2d, dst2d)

    out_pad = pl.pallas_call(
        _logsoftmax_body,
        grid=(NP // BR,),
        in_specs=[
            pl.BlockSpec((1, BR, HALF), lambda i: (0, i, 0)),
            pl.BlockSpec((1, BR, HALF), lambda i: (1, i, 0)),
            pl.BlockSpec((BR, 1), lambda i: (i, 0)),
        ],
        out_specs=pl.BlockSpec((BR, C), lambda i: (i, 0)),
        out_shape=jax.ShapeDtypeStruct((NP, C), jnp.float32),
    )(g_pair, g_pair, sq.reshape(NP, 1))
    return out_pad[:N]

# --- scband reference (transcript-rebuilt; emitter-appended) ---
"""Pipeline reference for scband-appnp-net-57191784513887 (READ-ONLY COPY).

The authoritative reference and input builder live on the scoring server;
editing this copy changes nothing except your own understanding.
"""

import jax, jax.numpy as jnp
import numpy as np

N = 10000
E = 320000
D = 128
H = 64
C = 64
K = 10
ALPHA = 0.1


def setup_inputs(seed: int = 0) -> dict:
    key = jax.random.key(seed)
    k1, k2, k3, k4 = jax.random.split(key, 4)
    x = jax.random.normal(k1, (N, D), dtype=jnp.float32)
    edge_index = jax.random.randint(k2, (2, E), 0, N, dtype=jnp.int32)
    W1 = jax.random.normal(k3, (D, H), dtype=jnp.float32) * 0.05
    b1 = jnp.zeros((H,), dtype=jnp.float32)
    W2 = jax.random.normal(k4, (H, C), dtype=jnp.float32) * 0.05
    b2 = jnp.zeros((C,), dtype=jnp.float32)
    return {"x": x, "edge_index": edge_index, "W1": W1, "b1": b1, "W2": W2, "b2": b2}


def reference(x, edge_index, W1, b1, W2, b2):
    n = x.shape[0]
    # dgl.add_self_loop
    loops = jnp.arange(n, dtype=edge_index.dtype)
    src = jnp.concatenate([edge_index[0], loops])
    dst = jnp.concatenate([edge_index[1], loops])
    # MLP (dropout p=0.0 -> identity)
    h = jax.nn.relu(x @ W1 + b1)
    h = h @ W2 + b2
    # APPNPConv with symmetric degree normalization
    ones = jnp.ones(src.shape[0], dtype=h.dtype)
    deg_out = jax.ops.segment_sum(ones, src, num_segments=n)
    deg_in = jax.ops.segment_sum(ones, dst, num_segments=n)
    dout = jnp.where(deg_out > 0, deg_out, 1.0) ** -0.5
    din = jnp.where(deg_in > 0, deg_in, 1.0) ** -0.5
    feat = h
    for _ in range(K):
        tmp = feat * dout[:, None]
        msg = jnp.take(tmp, src, axis=0)
        agg = jax.ops.segment_sum(msg, dst, num_segments=n)
        feat = agg * din[:, None]
        feat = (1.0 - ALPHA) * feat + ALPHA * h
    return jax.nn.log_softmax(feat, axis=1)

if __name__ == "__main__":
    import jax
    _d = setup_inputs()
    print(jax.jit(kernel)(*tuple(_d.values())))

</pallas_src>

<mosaic_0001>
#map = affine_map<(d0, d1) -> (0, 0, 0)>
#map1 = affine_map<(d0, d1) -> (0, 0)>
module attributes {stable_mosaic.version = 14 : i64} {
  func.func @body(%arg0: i32, %arg1: i32, %arg2: memref<2x10240x32xf32, #tpu.memory_space<hbm>>, %arg3: memref<2560x128xi32, #tpu.memory_space<hbm>>, %arg4: memref<2560x128xi32, #tpu.memory_space<hbm>>, %arg5: memref<2x10240x32xf32, #tpu.memory_space<hbm>>, %arg6: memref<80x128xf32, #tpu.memory_space<hbm>>, %arg7: memref<8x128xi32, #tpu.memory_space<vmem>>, %arg8: memref<8x128xi32, #tpu.memory_space<vmem>>, %arg9: memref<640x32xf32, #tpu.memory_space<vmem>>, %arg10: memref<640x32xf32, #tpu.memory_space<vmem>>, %arg11: memref<640x32xf32, #tpu.memory_space<vmem>>, %arg12: memref<128x32xf32, #tpu.memory_space<vmem>>, %arg13: memref<48x128xf32, #tpu.memory_space<vmem>>, %arg14: memref<16x128xf32, #tpu.memory_space<vmem>>, %arg15: memref<1x48xi32, #tpu.memory_space<vmem>>, %arg16: memref<5x128xf32, #tpu.memory_space<vmem>>, %arg17: memref<5x128xf32, #tpu.memory_space<vmem>>, %arg18: memref<5x128xf32, #tpu.memory_space<vmem>>, %arg19: memref<640xf32, #tpu.memory_space<vmem>>, %arg20: memref<10240x32xf32, #tpu.memory_space<vmem_shared>>, %arg21: memref<10240x32xf32, #tpu.memory_space<vmem_shared>>, %arg22: memref<256x128xf32, #tpu.memory_space<vmem_shared>>) attributes {dimension_semantics = [#tpu.dimension_semantics<core_parallel>, #tpu.dimension_semantics<subcore_parallel>], iteration_bounds = array<i64: 2, 16>, scalar_prefetch = 0 : i64, scratch_operands = 16 : i64, tpu.core_type = #tpu.core_type<sc_vector_subcore>, window_params = [{transform_indices = #map}, {transform_indices = #map1}, {transform_indices = #map1}, {transform_indices = #map}, {transform_indices = #map1}]} {
    %mul3A = arith.constant 640 : i32
    %mul3A_0 = arith.muli %arg1, %mul3A : i32
    %broadcast_in_dim3A = arith.constant 0.000000e+00 : f32
    %broadcast_in_dim3A_1 = vector.broadcast %broadcast_in_dim3A : f32 to vector<16xf32>
    %broadcast_in_dim3A_2 = arith.constant 1.000000e+00 : f32
    %broadcast_in_dim3A_3 = vector.broadcast %broadcast_in_dim3A_2 : f32 to vector<16xf32>
    %iota3A = tpu.iota {dimensions = array<i32: 0>} : vector<16xi32>
    %scan3A = arith.constant 0 : i32
    %scan3A_4 = arith.constant 0 : i32
    %scan3A_5 = arith.constant 128 : i32
    %scan3A_6 = arith.addi %scan3A_4, %scan3A_5 : i32
    %scan3A_7 = arith.constant 1 : i32
    %scan3A_8 = scf.for %scan3A_136 = %scan3A_4 to %scan3A_6 step %scan3A_7 iter_args(%scan3A_137 = %scan3A) -> (i32)  : i32 {
      %shift_right_arithmetic3A = arith.constant 3 : i32
      %shift_right_arithmetic3A_138 = arith.shrsi %scan3A_136, %shift_right_arithmetic3A : i32
      %and3A = arith.constant 7 : i32
      %and3A_139 = arith.andi %scan3A_136, %and3A : i32
      %mul3A_140 = arith.constant 16 : i32
      %mul3A_141 = arith.muli %and3A_139, %mul3A_140 : i32
      %swap3A = arith.index_cast %shift_right_arithmetic3A_138 : i32 to index
      %swap3A_142 = arith.index_cast %mul3A_141 : i32 to index
      %swap3A_143 = tpu.vector_load %arg14[%swap3A, %swap3A_142] {strides = array<i32>} : memref<16x128xf32, #tpu.memory_space<vmem>>, vector<16xf32>,
      tpu.vector_store %arg14[%swap3A, %swap3A_142], %broadcast_in_dim3A_1 {strides = array<i32>} : memref<16x128xf32, #tpu.memory_space<vmem>>, vector<16xf32>,
      %scan3A_144 = arith.constant 0 : i32
      scf.yield %scan3A_144 : i32
    }
    %scan3A_9 = arith.constant 128 : i32
    %mul3A_10 = arith.constant 16 : i32
    %mul3A_11 = arith.muli %mul3A_10, %arg1 : i32
    "tpu.region"() ({
      %run_scoped3A_136 = tpu.sem_alloc : memref<!tpu.dma_semaphore, #tpu.memory_space<semaphore_mem>>
      %dma_start3A = arith.constant 0 : i32
      %dma_start3A_137 = tpu.memref_slice %arg22[%mul3A_11, %dma_start3A] : memref<256x128xf32, #tpu.memory_space<vmem_shared>> -> memref<16x128xf32, #tpu.memory_space<vmem_shared>>
      %dma_start3A_138 = arith.constant 0 : i32
      %dma_start3A_139 = tpu.memref_slice %arg22[%mul3A_11, %dma_start3A_138] : memref<256x128xf32, #tpu.memory_space<vmem_shared>> -> memref<16x128xf32, #tpu.memory_space<vmem_shared>>
      tpu.enqueue_dma source(%arg14 : memref<16x128xf32, #tpu.memory_space<vmem>>) target(%dma_start3A_139 : memref<16x128xf32, #tpu.memory_space<vmem_shared>>) target_semaphore(%run_scoped3A_136 : memref<!tpu.dma_semaphore, #tpu.memory_space<semaphore_mem>>)
      %dma_wait3A = arith.constant 0 : i32
      %dma_wait3A_140 = tpu.memref_slice %arg22[%mul3A_11, %dma_wait3A] : memref<256x128xf32, #tpu.memory_space<vmem_shared>> -> memref<16x128xf32, #tpu.memory_space<vmem_shared>>
      %dma_wait3A_141 = arith.constant 0 : i32
      %dma_wait3A_142 = tpu.memref_slice %arg22[%mul3A_11, %dma_wait3A_141] : memref<256x128xf32, #tpu.memory_space<vmem_shared>> -> memref<16x128xf32, #tpu.memory_space<vmem_shared>>
      tpu.wait_dma2 semaphore(%run_scoped3A_136 : memref<!tpu.dma_semaphore, #tpu.memory_space<semaphore_mem>>) src(%arg14 : memref<16x128xf32, #tpu.memory_space<vmem>>) dst(%dma_wait3A_142 : memref<16x128xf32, #tpu.memory_space<vmem_shared>>)
      tpu.yield
    }) : () -> ()
    "tpu.region"() ({
      %run_scoped3A_136 = tpu.sem_alloc : memref<!tpu.dma_semaphore, #tpu.memory_space<semaphore_mem>>
      %dma_start3A = arith.constant 0 : i32
      %dma_start3A_137 = tpu.memref_slice %arg2[%arg0, %mul3A_0, %dma_start3A] : memref<2x10240x32xf32, #tpu.memory_space<hbm>> -> memref<1x640x32xf32, #tpu.memory_space<hbm>>
      %dma_start3A_138 = tpu.memref_squeeze %dma_start3A_137 : memref<1x640x32xf32, #tpu.memory_space<hbm>> -> memref<640x32xf32, #tpu.memory_space<hbm>>
      %dma_start3A_139 = arith.constant 0 : i32
      %dma_start3A_140 = tpu.memref_slice %arg2[%arg0, %mul3A_0, %dma_start3A_139] : memref<2x10240x32xf32, #tpu.memory_space<hbm>> -> memref<1x640x32xf32, #tpu.memory_space<hbm>>
      %dma_start3A_141 = tpu.memref_squeeze %dma_start3A_140 : memref<1x640x32xf32, #tpu.memory_space<hbm>> -> memref<640x32xf32, #tpu.memory_space<hbm>>
      tpu.enqueue_dma source(%dma_start3A_141 : memref<640x32xf32, #tpu.memory_space<hbm>>) target(%arg11 : memref<640x32xf32, #tpu.memory_space<vmem>>) target_semaphore(%run_scoped3A_136 : memref<!tpu.dma_semaphore, #tpu.memory_space<semaphore_mem>>)
      %dma_wait3A = arith.constant 0 : i32
      %dma_wait3A_142 = tpu.memref_slice %arg2[%arg0, %mul3A_0, %dma_wait3A] : memref<2x10240x32xf32, #tpu.memory_space<hbm>> -> memref<1x640x32xf32, #tpu.memory_space<hbm>>
      %dma_wait3A_143 = tpu.memref_squeeze %dma_wait3A_142 : memref<1x640x32xf32, #tpu.memory_space<hbm>> -> memref<640x32xf32, #tpu.memory_space<hbm>>
      %dma_wait3A_144 = arith.constant 0 : i32
      %dma_wait3A_145 = tpu.memref_slice %arg2[%arg0, %mul3A_0, %dma_wait3A_144] : memref<2x10240x32xf32, #tpu.memory_space<hbm>> -> memref<1x640x32xf32, #tpu.memory_space<hbm>>
      %dma_wait3A_146 = tpu.memref_squeeze %dma_wait3A_145 : memref<1x640x32xf32, #tpu.memory_space<hbm>> -> memref<640x32xf32, #tpu.memory_space<hbm>>
      tpu.wait_dma2 semaphore(%run_scoped3A_136 : memref<!tpu.dma_semaphore, #tpu.memory_space<semaphore_mem>>) src(%dma_wait3A_146 : memref<640x32xf32, #tpu.memory_space<hbm>>) dst(%arg11 : memref<640x32xf32, #tpu.memory_space<vmem>>)
      tpu.yield
    }) : () -> ()
    %barrier3A = arith.constant 0 : index
    tpu.barrier barrier_id(%barrier3A)
    %scan3A_12 = arith.constant 0 : i32
    %scan3A_13 = arith.constant 0 : i32
    %scan3A_14 = arith.constant 384 : i32
    %scan3A_15 = arith.addi %scan3A_13, %scan3A_14 : i32
    %scan3A_16 = arith.constant 1 : i32
    %scan3A_17 = scf.for %scan3A_136 = %scan3A_13 to %scan3A_15 step %scan3A_16 iter_args(%scan3A_137 = %scan3A_12) -> (i32)  : i32 {
      %shift_right_arithmetic3A = arith.constant 3 : i32
      %shift_right_arithmetic3A_138 = arith.shrsi %scan3A_136, %shift_right_arithmetic3A : i32
      %and3A = arith.constant 7 : i32
      %and3A_139 = arith.andi %scan3A_136, %and3A : i32
      %mul3A_140 = arith.constant 16 : i32
      %mul3A_141 = arith.muli %and3A_139, %mul3A_140 : i32
      %swap3A = arith.index_cast %shift_right_arithmetic3A_138 : i32 to index
      %swap3A_142 = arith.index_cast %mul3A_141 : i32 to index
      %swap3A_143 = tpu.vector_load %arg13[%swap3A, %swap3A_142] {strides = array<i32>} : memref<48x128xf32, #tpu.memory_space<vmem>>, vector<16xf32>,
      tpu.vector_store %arg13[%swap3A, %swap3A_142], %broadcast_in_dim3A_1 {strides = array<i32>} : memref<48x128xf32, #tpu.memory_space<vmem>>, vector<16xf32>,
      %scan3A_144 = arith.constant 0 : i32
      scf.yield %scan3A_144 : i32
    }
    %scan3A_18 = arith.constant 384 : i32
    %scan3A_19 = arith.constant 0 : i32
    %scan3A_20 = arith.constant 0 : i32
    %scan3A_21 = arith.constant 20 : i32
    %scan3A_22 = arith.addi %scan3A_20, %scan3A_21 : i32
    %scan3A_23 = arith.constant 1 : i32
    %scan3A_24 = scf.for %scan3A_136 = %scan3A_20 to %scan3A_22 step %scan3A_23 iter_args(%scan3A_137 = %scan3A_19) -> (i32)  : i32 {
      %mul3A_138 = arith.constant 160 : i32
      %mul3A_139 = arith.muli %arg1, %mul3A_138 : i32
      %mul3A_140 = arith.constant 8 : i32
      %mul3A_141 = arith.muli %scan3A_136, %mul3A_140 : i32
      %add3A_142 = arith.addi %mul3A_139, %mul3A_141 : i32
      "tpu.region"() ({
        %run_scoped3A_151 = tpu.sem_alloc : memref<!tpu.dma_semaphore, #tpu.memory_space<semaphore_mem>>
        %dma_start3A = arith.constant 0 : i32
        %dma_start3A_152 = tpu.memref_slice %arg3[%add3A_142, %dma_start3A] : memref<2560x128xi32, #tpu.memory_space<hbm>> -> memref<8x128xi32, #tpu.memory_space<hbm>>
        %dma_start3A_153 = arith.constant 0 : i32
        %dma_start3A_154 = tpu.memref_slice %arg3[%add3A_142, %dma_start3A_153] : memref<2560x128xi32, #tpu.memory_space<hbm>> -> memref<8x128xi32, #tpu.memory_space<hbm>>
        tpu.enqueue_dma source(%dma_start3A_154 : memref<8x128xi32, #tpu.memory_space<hbm>>) target(%arg7 : memref<8x128xi32, #tpu.memory_space<vmem>>) target_semaphore(%run_scoped3A_151 : memref<!tpu.dma_semaphore, #tpu.memory_space<semaphore_mem>>)
        %dma_wait3A = arith.constant 0 : i32
        %dma_wait3A_155 = tpu.memref_slice %arg3[%add3A_142, %dma_wait3A] : memref<2560x128xi32, #tpu.memory_space<hbm>> -> memref<8x128xi32, #tpu.memory_space<hbm>>
        %dma_wait3A_156 = arith.constant 0 : i32
        %dma_wait3A_157 = tpu.memref_slice %arg3[%add3A_142, %dma_wait3A_156] : memref<2560x128xi32, #tpu.memory_space<hbm>> -> memref<8x128xi32, #tpu.memory_space<hbm>>
        tpu.wait_dma2 semaphore(%run_scoped3A_151 : memref<!tpu.dma_semaphore, #tpu.memory_space<semaphore_mem>>) src(%dma_wait3A_157 : memref<8x128xi32, #tpu.memory_space<hbm>>) dst(%arg7 : memref<8x128xi32, #tpu.memory_space<vmem>>)
        tpu.yield
      }) : () -> ()
      %scan3A_143 = arith.constant 0 : i32
      %scan3A_144 = arith.constant 0 : i32
      %scan3A_145 = arith.constant 64 : i32
      %scan3A_146 = arith.addi %scan3A_144, %scan3A_145 : i32
      %scan3A_147 = arith.constant 1 : i32
      %scan3A_148 = scf.for %scan3A_151 = %scan3A_144 to %scan3A_146 step %scan3A_147 iter_args(%scan3A_152 = %scan3A_143) -> (i32)  : i32 {
        %shift_right_arithmetic3A = arith.constant 3 : i32
        %shift_right_arithmetic3A_153 = arith.shrsi %scan3A_151, %shift_right_arithmetic3A : i32
        %and3A = arith.constant 7 : i32
        %and3A_154 = arith.andi %scan3A_151, %and3A : i32
        %mul3A_155 = arith.constant 16 : i32
        %mul3A_156 = arith.muli %and3A_154, %mul3A_155 : i32
        %get3A = arith.index_cast %shift_right_arithmetic3A_153 : i32 to index
        %get3A_157 = arith.index_cast %mul3A_156 : i32 to index
        %get3A_158 = tpu.vector_load %arg7[%get3A, %get3A_157] {strides = array<i32>} : memref<8x128xi32, #tpu.memory_space<vmem>>, vector<16xi32>,
        %sub3A = arith.constant 0 : i32
        %sub3A_159 = vector.broadcast %sub3A : i32 to vector<16xi32>
        %sub3A_160 = arith.subi %get3A_158, %sub3A_159 : vector<16xi32>
        %ge3A = arith.constant 0 : i32
        %ge3A_161 = vector.broadcast %ge3A : i32 to vector<16xi32>
        %ge3A_162 = arith.cmpi sge, %sub3A_160, %ge3A_161 : vector<16xi32>
        %lt3A = arith.constant 5120 : i32
        %lt3A_163 = vector.broadcast %lt3A : i32 to vector<16xi32>
        %lt3A_164 = arith.cmpi slt, %sub3A_160, %lt3A_163 : vector<16xi32>
        %and3A_165 = arith.andi %ge3A_162, %lt3A_164 : vector<16xi1>
        %shift_right_arithmetic3A_166 = arith.constant 7 : i32
        %shift_right_arithmetic3A_167 = vector.broadcast %shift_right_arithmetic3A_166 : i32 to vector<16xi32>
        %shift_right_arithmetic3A_168 = arith.shrsi %sub3A_160, %shift_right_arithmetic3A_167 : vector<16xi32>
        %and3A_169 = arith.constant 127 : i32
        %and3A_170 = vector.broadcast %and3A_169 : i32 to vector<16xi32>
        %and3A_171 = arith.andi %sub3A_160, %and3A_170 : vector<16xi32>
        tpu.vector_store_idx %arg13[%shift_right_arithmetic3A_168, %and3A_171], %broadcast_in_dim3A_3 masked %and3A_165 {add = true} : memref<48x128xf32, #tpu.memory_space<vmem>>[vector<16xi32>, vector<16xi32>], vector<16xf32>, vector<16xi1>
        %scan3A_172 = arith.constant 0 : i32
        scf.yield %scan3A_172 : i32
      }
      %scan3A_149 = arith.constant 64 : i32
      %scan3A_150 = arith.constant 0 : i32
      scf.yield %scan3A_150 : i32
    }
    %scan3A_25 = arith.constant 20 : i32
    %scan3A_26 = arith.constant 0 : i32
    %scan3A_27 = arith.constant 0 : i32
    %scan3A_28 = arith.constant 3 : i32
    %scan3A_29 = arith.addi %scan3A_27, %scan3A_28 : i32
    %scan3A_30 = arith.constant 1 : i32
    %scan3A_31 = scf.for %scan3A_136 = %scan3A_27 to %scan3A_29 step %scan3A_30 iter_args(%scan3A_137 = %scan3A_26) -> (i32)  : i32 {
      %mul3A_138 = arith.constant 16 : i32
      %mul3A_139 = arith.muli %scan3A_136, %mul3A_138 : i32
      %add3A_140 = arith.constant 0 : i32
      %add3A_141 = arith.addi %add3A_140, %mul3A_139 : i32
      %add3A_142 = vector.broadcast %add3A_141 : i32 to vector<16xi32>
      %add3A_143 = arith.addi %iota3A, %add3A_142 : vector<16xi32>
      %mul3A_144 = arith.constant 16 : i32
      %mul3A_145 = arith.muli %scan3A_136, %mul3A_144 : i32
      %swap3A = arith.constant 0 : i32
      %swap3A_146 = arith.index_cast %swap3A : i32 to index
      %swap3A_147 = arith.index_cast %mul3A_145 : i32 to index
      %swap3A_148 = tpu.vector_load %arg15[%swap3A_146, %swap3A_147] {strides = array<i32>} : memref<1x48xi32, #tpu.memory_space<vmem>>, vector<16xi32>,
      tpu.vector_store %arg15[%swap3A_146, %swap3A_147], %add3A_143 {strides = array<i32>} : memref<1x48xi32, #tpu.memory_space<vmem>>, vector<16xi32>,
      %scan3A_149 = arith.constant 0 : i32
      scf.yield %scan3A_149 : i32
    }
    %scan3A_32 = arith.constant 3 : i32
    %run_scoped3A = arith.constant 0 : i32
    "tpu.region"() ({
      %run_scoped3A_136 = tpu.sem_alloc : memref<!tpu.dma_semaphore, #tpu.memory_space<semaphore_mem>>
      %dma_start3A = arith.constant 0 : i32
      %dma_start3A_137 = tpu.memref_slice %arg15[%run_scoped3A, %dma_start3A] : memref<1x48xi32, #tpu.memory_space<vmem>> -> memref<1x48xi32, #tpu.memory_space<vmem>>
      %dma_start3A_138 = tpu.memref_squeeze %dma_start3A_137 : memref<1x48xi32, #tpu.memory_space<vmem>> -> memref<48xi32, #tpu.memory_space<vmem>>
      %dma_start3A_139 = arith.constant 0 : i32
      %dma_start3A_140 = arith.constant 0 : i32
      %dma_start3A_141 = tpu.memref_slice %arg22[%dma_start3A_139, %dma_start3A_140] : memref<256x128xf32, #tpu.memory_space<vmem_shared>> -> memref<256x128xf32, #tpu.memory_space<vmem_shared>>
      tpu.enqueue_indirect_dma source(%arg13 : memref<48x128xf32, #tpu.memory_space<vmem>>) target(%dma_start3A_141 : memref<256x128xf32, #tpu.memory_space<vmem_shared>>) offsets(%dma_start3A_138 : memref<48xi32, #tpu.memory_space<vmem>>) semaphore(%run_scoped3A_136 : memref<!tpu.dma_semaphore, #tpu.memory_space<semaphore_mem>>) {add = true}
      %dma_wait3A = arith.constant 0 : i32
      %dma_wait3A_142 = tpu.memref_slice %arg15[%run_scoped3A, %dma_wait3A] : memref<1x48xi32, #tpu.memory_space<vmem>> -> memref<1x48xi32, #tpu.memory_space<vmem>>
      %dma_wait3A_143 = tpu.memref_squeeze %dma_wait3A_142 : memref<1x48xi32, #tpu.memory_space<vmem>> -> memref<48xi32, #tpu.memory_space<vmem>>
      %dma_wait3A_144 = arith.constant 0 : i32
      %dma_wait3A_145 = arith.constant 0 : i32
      %dma_wait3A_146 = tpu.memref_slice %arg22[%dma_wait3A_144, %dma_wait3A_145] : memref<256x128xf32, #tpu.memory_space<vmem_shared>> -> memref<256x128xf32, #tpu.memory_space<vmem_shared>>
      tpu.wait_indirect_dma semaphore(%run_scoped3A_136 : memref<!tpu.dma_semaphore, #tpu.memory_space<semaphore_mem>>) src(%arg13 : memref<48x128xf32, #tpu.memory_space<vmem>>) dst(%dma_wait3A_146 : memref<256x128xf32, #tpu.memory_space<vmem_shared>>)
      tpu.yield
    }) : () -> ()
    %scan3A_33 = arith.constant 0 : i32
    %scan3A_34 = arith.constant 0 : i32
    %scan3A_35 = arith.constant 384 : i32
    %scan3A_36 = arith.addi %scan3A_34, %scan3A_35 : i32
    %scan3A_37 = arith.constant 1 : i32
    %scan3A_38 = scf.for %scan3A_136 = %scan3A_34 to %scan3A_36 step %scan3A_37 iter_args(%scan3A_137 = %scan3A_33) -> (i32)  : i32 {
      %shift_right_arithmetic3A = arith.constant 3 : i32
      %shift_right_arithmetic3A_138 = arith.shrsi %scan3A_136, %shift_right_arithmetic3A : i32
      %and3A = arith.constant 7 : i32
      %and3A_139 = arith.andi %scan3A_136, %and3A : i32
      %mul3A_140 = arith.constant 16 : i32
      %mul3A_141 = arith.muli %and3A_139, %mul3A_140 : i32
      %swap3A = arith.index_cast %shift_right_arithmetic3A_138 : i32 to index
      %swap3A_142 = arith.index_cast %mul3A_141 : i32 to index
      %swap3A_143 = tpu.vector_load %arg13[%swap3A, %swap3A_142] {strides = array<i32>} : memref<48x128xf32, #tpu.memory_space<vmem>>, vector<16xf32>,
      tpu.vector_store %arg13[%swap3A, %swap3A_142], %broadcast_in_dim3A_1 {strides = array<i32>} : memref<48x128xf32, #tpu.memory_space<vmem>>, vector<16xf32>,
      %scan3A_144 = arith.constant 0 : i32
      scf.yield %scan3A_144 : i32
    }
    %scan3A_39 = arith.constant 384 : i32
    %scan3A_40 = arith.constant 0 : i32
    %scan3A_41 = arith.constant 0 : i32
    %scan3A_42 = arith.constant 20 : i32
    %scan3A_43 = arith.addi %scan3A_41, %scan3A_42 : i32
    %scan3A_44 = arith.constant 1 : i32
    %scan3A_45 = scf.for %scan3A_136 = %scan3A_41 to %scan3A_43 step %scan3A_44 iter_args(%scan3A_137 = %scan3A_40) -> (i32)  : i32 {
      %mul3A_138 = arith.constant 160 : i32
      %mul3A_139 = arith.muli %arg1, %mul3A_138 : i32
      %mul3A_140 = arith.constant 8 : i32
      %mul3A_141 = arith.muli %scan3A_136, %mul3A_140 : i32
      %add3A_142 = arith.addi %mul3A_139, %mul3A_141 : i32
      "tpu.region"() ({
        %run_scoped3A_151 = tpu.sem_alloc : memref<!tpu.dma_semaphore, #tpu.memory_space<semaphore_mem>>
        %dma_start3A = arith.constant 0 : i32
        %dma_start3A_152 = tpu.memref_slice %arg3[%add3A_142, %dma_start3A] : memref<2560x128xi32, #tpu.memory_space<hbm>> -> memref<8x128xi32, #tpu.memory_space<hbm>>
        %dma_start3A_153 = arith.constant 0 : i32
        %dma_start3A_154 = tpu.memref_slice %arg3[%add3A_142, %dma_start3A_153] : memref<2560x128xi32, #tpu.memory_space<hbm>> -> memref<8x128xi32, #tpu.memory_space<hbm>>
        tpu.enqueue_dma source(%dma_start3A_154 : memref<8x128xi32, #tpu.memory_space<hbm>>) target(%arg7 : memref<8x128xi32, #tpu.memory_space<vmem>>) target_semaphore(%run_scoped3A_151 : memref<!tpu.dma_semaphore, #tpu.memory_space<semaphore_mem>>)
        %dma_wait3A = arith.constant 0 : i32
        %dma_wait3A_155 = tpu.memref_slice %arg3[%add3A_142, %dma_wait3A] : memref<2560x128xi32, #tpu.memory_space<hbm>> -> memref<8x128xi32, #tpu.memory_space<hbm>>
        %dma_wait3A_156 = arith.constant 0 : i32
        %dma_wait3A_157 = tpu.memref_slice %arg3[%add3A_142, %dma_wait3A_156] : memref<2560x128xi32, #tpu.memory_space<hbm>> -> memref<8x128xi32, #tpu.memory_space<hbm>>
        tpu.wait_dma2 semaphore(%run_scoped3A_151 : memref<!tpu.dma_semaphore, #tpu.memory_space<semaphore_mem>>) src(%dma_wait3A_157 : memref<8x128xi32, #tpu.memory_space<hbm>>) dst(%arg7 : memref<8x128xi32, #tpu.memory_space<vmem>>)
        tpu.yield
      }) : () -> ()
      %scan3A_143 = arith.constant 0 : i32
      %scan3A_144 = arith.constant 0 : i32
      %scan3A_145 = arith.constant 64 : i32
      %scan3A_146 = arith.addi %scan3A_144, %scan3A_145 : i32
      %scan3A_147 = arith.constant 1 : i32
      %scan3A_148 = scf.for %scan3A_151 = %scan3A_144 to %scan3A_146 step %scan3A_147 iter_args(%scan3A_152 = %scan3A_143) -> (i32)  : i32 {
        %shift_right_arithmetic3A = arith.constant 3 : i32
        %shift_right_arithmetic3A_153 = arith.shrsi %scan3A_151, %shift_right_arithmetic3A : i32
        %and3A = arith.constant 7 : i32
        %and3A_154 = arith.andi %scan3A_151, %and3A : i32
        %mul3A_155 = arith.constant 16 : i32
        %mul3A_156 = arith.muli %and3A_154, %mul3A_155 : i32
        %get3A = arith.index_cast %shift_right_arithmetic3A_153 : i32 to index
        %get3A_157 = arith.index_cast %mul3A_156 : i32 to index
        %get3A_158 = tpu.vector_load %arg7[%get3A, %get3A_157] {strides = array<i32>} : memref<8x128xi32, #tpu.memory_space<vmem>>, vector<16xi32>,
        %sub3A = arith.constant 5120 : i32
        %sub3A_159 = vector.broadcast %sub3A : i32 to vector<16xi32>
        %sub3A_160 = arith.subi %get3A_158, %sub3A_159 : vector<16xi32>
        %ge3A = arith.constant 0 : i32
        %ge3A_161 = vector.broadcast %ge3A : i32 to vector<16xi32>
        %ge3A_162 = arith.cmpi sge, %sub3A_160, %ge3A_161 : vector<16xi32>
        %lt3A = arith.constant 5120 : i32
        %lt3A_163 = vector.broadcast %lt3A : i32 to vector<16xi32>
        %lt3A_164 = arith.cmpi slt, %sub3A_160, %lt3A_163 : vector<16xi32>
        %and3A_165 = arith.andi %ge3A_162, %lt3A_164 : vector<16xi1>
        %shift_right_arithmetic3A_166 = arith.constant 7 : i32
        %shift_right_arithmetic3A_167 = vector.broadcast %shift_right_arithmetic3A_166 : i32 to vector<16xi32>
        %shift_right_arithmetic3A_168 = arith.shrsi %sub3A_160, %shift_right_arithmetic3A_167 : vector<16xi32>
        %and3A_169 = arith.constant 127 : i32
        %and3A_170 = vector.broadcast %and3A_169 : i32 to vector<16xi32>
        %and3A_171 = arith.andi %sub3A_160, %and3A_170 : vector<16xi32>
        tpu.vector_store_idx %arg13[%shift_right_arithmetic3A_168, %and3A_171], %broadcast_in_dim3A_3 masked %and3A_165 {add = true} : memref<48x128xf32, #tpu.memory_space<vmem>>[vector<16xi32>, vector<16xi32>], vector<16xf32>, vector<16xi1>
        %scan3A_172 = arith.constant 0 : i32
        scf.yield %scan3A_172 : i32
      }
      %scan3A_149 = arith.constant 64 : i32
      %scan3A_150 = arith.constant 0 : i32
      scf.yield %scan3A_150 : i32
    }
    %scan3A_46 = arith.constant 20 : i32
    %scan3A_47 = arith.constant 0 : i32
    %scan3A_48 = arith.constant 0 : i32
    %scan3A_49 = arith.constant 3 : i32
    %scan3A_50 = arith.addi %scan3A_48, %scan3A_49 : i32
    %scan3A_51 = arith.constant 1 : i32
    %scan3A_52 = scf.for %scan3A_136 = %scan3A_48 to %scan3A_50 step %scan3A_51 iter_args(%scan3A_137 = %scan3A_47) -> (i32)  : i32 {
      %mul3A_138 = arith.constant 16 : i32
      %mul3A_139 = arith.muli %scan3A_136, %mul3A_138 : i32
      %add3A_140 = arith.constant 40 : i32
      %add3A_141 = arith.addi %add3A_140, %mul3A_139 : i32
      %add3A_142 = vector.broadcast %add3A_141 : i32 to vector<16xi32>
      %add3A_143 = arith.addi %iota3A, %add3A_142 : vector<16xi32>
      %mul3A_144 = arith.constant 16 : i32
      %mul3A_145 = arith.muli %scan3A_136, %mul3A_144 : i32
      %swap3A = arith.constant 0 : i32
      %swap3A_146 = arith.index_cast %swap3A : i32 to index
      %swap3A_147 = arith.index_cast %mul3A_145 : i32 to index
      %swap3A_148 = tpu.vector_load %arg15[%swap3A_146, %swap3A_147] {strides = array<i32>} : memref<1x48xi32, #tpu.memory_space<vmem>>, vector<16xi32>,
      tpu.vector_store %arg15[%swap3A_146, %swap3A_147], %add3A_143 {strides = array<i32>} : memref<1x48xi32, #tpu.memory_space<vmem>>, vector<16xi32>,
      %scan3A_149 = arith.constant 0 : i32
      scf.yield %scan3A_149 : i32
    }
    %scan3A_53 = arith.constant 3 : i32
    %run_scoped3A_54 = arith.constant 0 : i32
    "tpu.region"() ({
      %run_scoped3A_136 = tpu.sem_alloc : memref<!tpu.dma_semaphore, #tpu.memory_space<semaphore_mem>>
      %dma_start3A = arith.constant 0 : i32
      %dma_start3A_137 = tpu.memref_slice %arg15[%run_scoped3A_54, %dma_start3A] : memref<1x48xi32, #tpu.memory_space<vmem>> -> memref<1x48xi32, #tpu.memory_space<vmem>>
      %dma_start3A_138 = tpu.memref_squeeze %dma_start3A_137 : memref<1x48xi32, #tpu.memory_space<vmem>> -> memref<48xi32, #tpu.memory_space<vmem>>
      %dma_start3A_139 = arith.constant 0 : i32
      %dma_start3A_140 = arith.constant 0 : i32
      %dma_start3A_141 = tpu.memref_slice %arg22[%dma_start3A_139, %dma_start3A_140] : memref<256x128xf32, #tpu.memory_space<vmem_shared>> -> memref<256x128xf32, #tpu.memory_space<vmem_shared>>
      tpu.enqueue_indirect_dma source(%arg13 : memref<48x128xf32, #tpu.memory_space<vmem>>) target(%dma_start3A_141 : memref<256x128xf32, #tpu.memory_space<vmem_shared>>) offsets(%dma_start3A_138 : memref<48xi32, #tpu.memory_space<vmem>>) semaphore(%run_scoped3A_136 : memref<!tpu.dma_semaphore, #tpu.memory_space<semaphore_mem>>) {add = true}
      %dma_wait3A = arith.constant 0 : i32
      %dma_wait3A_142 = tpu.memref_slice %arg15[%run_scoped3A_54, %dma_wait3A] : memref<1x48xi32, #tpu.memory_space<vmem>> -> memref<1x48xi32, #tpu.memory_space<vmem>>
      %dma_wait3A_143 = tpu.memref_squeeze %dma_wait3A_142 : memref<1x48xi32, #tpu.memory_space<vmem>> -> memref<48xi32, #tpu.memory_space<vmem>>
      %dma_wait3A_144 = arith.constant 0 : i32
      %dma_wait3A_145 = arith.constant 0 : i32
      %dma_wait3A_146 = tpu.memref_slice %arg22[%dma_wait3A_144, %dma_wait3A_145] : memref<256x128xf32, #tpu.memory_space<vmem_shared>> -> memref<256x128xf32, #tpu.memory_space<vmem_shared>>
      tpu.wait_indirect_dma semaphore(%run_scoped3A_136 : memref<!tpu.dma_semaphore, #tpu.memory_space<semaphore_mem>>) src(%arg13 : memref<48x128xf32, #tpu.memory_space<vmem>>) dst(%dma_wait3A_146 : memref<256x128xf32, #tpu.memory_space<vmem_shared>>)
      tpu.yield
    }) : () -> ()
    %scan3A_55 = arith.constant 0 : i32
    %scan3A_56 = arith.constant 0 : i32
    %scan3A_57 = arith.constant 384 : i32
    %scan3A_58 = arith.addi %scan3A_56, %scan3A_57 : i32
    %scan3A_59 = arith.constant 1 : i32
    %scan3A_60 = scf.for %scan3A_136 = %scan3A_56 to %scan3A_58 step %scan3A_59 iter_args(%scan3A_137 = %scan3A_55) -> (i32)  : i32 {
      %shift_right_arithmetic3A = arith.constant 3 : i32
      %shift_right_arithmetic3A_138 = arith.shrsi %scan3A_136, %shift_right_arithmetic3A : i32
      %and3A = arith.constant 7 : i32
      %and3A_139 = arith.andi %scan3A_136, %and3A : i32
      %mul3A_140 = arith.constant 16 : i32
      %mul3A_141 = arith.muli %and3A_139, %mul3A_140 : i32
      %swap3A = arith.index_cast %shift_right_arithmetic3A_138 : i32 to index
      %swap3A_142 = arith.index_cast %mul3A_141 : i32 to index
      %swap3A_143 = tpu.vector_load %arg13[%swap3A, %swap3A_142] {strides = array<i32>} : memref<48x128xf32, #tpu.memory_space<vmem>>, vector<16xf32>,
      tpu.vector_store %arg13[%swap3A, %swap3A_142], %broadcast_in_dim3A_1 {strides = array<i32>} : memref<48x128xf32, #tpu.memory_space<vmem>>, vector<16xf32>,
      %scan3A_144 = arith.constant 0 : i32
      scf.yield %scan3A_144 : i32
    }
    %scan3A_61 = arith.constant 384 : i32
    %scan3A_62 = arith.constant 0 : i32
    %scan3A_63 = arith.constant 0 : i32
    %scan3A_64 = arith.constant 20 : i32
    %scan3A_65 = arith.addi %scan3A_63, %scan3A_64 : i32
    %scan3A_66 = arith.constant 1 : i32
    %scan3A_67 = scf.for %scan3A_136 = %scan3A_63 to %scan3A_65 step %scan3A_66 iter_args(%scan3A_137 = %scan3A_62) -> (i32)  : i32 {
      %mul3A_138 = arith.constant 160 : i32
      %mul3A_139 = arith.muli %arg1, %mul3A_138 : i32
      %mul3A_140 = arith.constant 8 : i32
      %mul3A_141 = arith.muli %scan3A_136, %mul3A_140 : i32
      %add3A_142 = arith.addi %mul3A_139, %mul3A_141 : i32
      "tpu.region"() ({
        %run_scoped3A_151 = tpu.sem_alloc : memref<!tpu.dma_semaphore, #tpu.memory_space<semaphore_mem>>
        %dma_start3A = arith.constant 0 : i32
        %dma_start3A_152 = tpu.memref_slice %arg4[%add3A_142, %dma_start3A] : memref<2560x128xi32, #tpu.memory_space<hbm>> -> memref<8x128xi32, #tpu.memory_space<hbm>>
        %dma_start3A_153 = arith.constant 0 : i32
        %dma_start3A_154 = tpu.memref_slice %arg4[%add3A_142, %dma_start3A_153] : memref<2560x128xi32, #tpu.memory_space<hbm>> -> memref<8x128xi32, #tpu.memory_space<hbm>>
        tpu.enqueue_dma source(%dma_start3A_154 : memref<8x128xi32, #tpu.memory_space<hbm>>) target(%arg7 : memref<8x128xi32, #tpu.memory_space<vmem>>) target_semaphore(%run_scoped3A_151 : memref<!tpu.dma_semaphore, #tpu.memory_space<semaphore_mem>>)
        %dma_wait3A = arith.constant 0 : i32
        %dma_wait3A_155 = tpu.memref_slice %arg4[%add3A_142, %dma_wait3A] : memref<2560x128xi32, #tpu.memory_space<hbm>> -> memref<8x128xi32, #tpu.memory_space<hbm>>
        %dma_wait3A_156 = arith.constant 0 : i32
        %dma_wait3A_157 = tpu.memref_slice %arg4[%add3A_142, %dma_wait3A_156] : memref<2560x128xi32, #tpu.memory_space<hbm>> -> memref<8x128xi32, #tpu.memory_space<hbm>>
        tpu.wait_dma2 semaphore(%run_scoped3A_151 : memref<!tpu.dma_semaphore, #tpu.memory_space<semaphore_mem>>) src(%dma_wait3A_157 : memref<8x128xi32, #tpu.memory_space<hbm>>) dst(%arg7 : memref<8x128xi32, #tpu.memory_space<vmem>>)
        tpu.yield
      }) : () -> ()
      %scan3A_143 = arith.constant 0 : i32
      %scan3A_144 = arith.constant 0 : i32
      %scan3A_145 = arith.constant 64 : i32
      %scan3A_146 = arith.addi %scan3A_144, %scan3A_145 : i32
      %scan3A_147 = arith.constant 1 : i32
      %scan3A_148 = scf.for %scan3A_151 = %scan3A_144 to %scan3A_146 step %scan3A_147 iter_args(%scan3A_152 = %scan3A_143) -> (i32)  : i32 {
        %shift_right_arithmetic3A = arith.constant 3 : i32
        %shift_right_arithmetic3A_153 = arith.shrsi %scan3A_151, %shift_right_arithmetic3A : i32
        %and3A = arith.constant 7 : i32
        %and3A_154 = arith.andi %scan3A_151, %and3A : i32
        %mul3A_155 = arith.constant 16 : i32
        %mul3A_156 = arith.muli %and3A_154, %mul3A_155 : i32
        %get3A = arith.index_cast %shift_right_arithmetic3A_153 : i32 to index
        %get3A_157 = arith.index_cast %mul3A_156 : i32 to index
        %get3A_158 = tpu.vector_load %arg7[%get3A, %get3A_157] {strides = array<i32>} : memref<8x128xi32, #tpu.memory_space<vmem>>, vector<16xi32>,
        %sub3A = arith.constant 0 : i32
        %sub3A_159 = vector.broadcast %sub3A : i32 to vector<16xi32>
        %sub3A_160 = arith.subi %get3A_158, %sub3A_159 : vector<16xi32>
        %ge3A = arith.constant 0 : i32
        %ge3A_161 = vector.broadcast %ge3A : i32 to vector<16xi32>
        %ge3A_162 = arith.cmpi sge, %sub3A_160, %ge3A_161 : vector<16xi32>
        %lt3A = arith.constant 5120 : i32
        %lt3A_163 = vector.broadcast %lt3A : i32 to vector<16xi32>
        %lt3A_164 = arith.cmpi slt, %sub3A_160, %lt3A_163 : vector<16xi32>
        %and3A_165 = arith.andi %ge3A_162, %lt3A_164 : vector<16xi1>
        %shift_right_arithmetic3A_166 = arith.constant 7 : i32
        %shift_right_arithmetic3A_167 = vector.broadcast %shift_right_arithmetic3A_166 : i32 to vector<16xi32>
        %shift_right_arithmetic3A_168 = arith.shrsi %sub3A_160, %shift_right_arithmetic3A_167 : vector<16xi32>
        %and3A_169 = arith.constant 127 : i32
        %and3A_170 = vector.broadcast %and3A_169 : i32 to vector<16xi32>
        %and3A_171 = arith.andi %sub3A_160, %and3A_170 : vector<16xi32>
        tpu.vector_store_idx %arg13[%shift_right_arithmetic3A_168, %and3A_171], %broadcast_in_dim3A_3 masked %and3A_165 {add = true} : memref<48x128xf32, #tpu.memory_space<vmem>>[vector<16xi32>, vector<16xi32>], vector<16xf32>, vector<16xi1>
        %scan3A_172 = arith.constant 0 : i32
        scf.yield %scan3A_172 : i32
      }
      %scan3A_149 = arith.constant 64 : i32
      %scan3A_150 = arith.constant 0 : i32
      scf.yield %scan3A_150 : i32
    }
    %scan3A_68 = arith.constant 20 : i32
    %scan3A_69 = arith.constant 0 : i32
    %scan3A_70 = arith.constant 0 : i32
    %scan3A_71 = arith.constant 3 : i32
    %scan3A_72 = arith.addi %scan3A_70, %scan3A_71 : i32
    %scan3A_73 = arith.constant 1 : i32
    %scan3A_74 = scf.for %scan3A_136 = %scan3A_70 to %scan3A_72 step %scan3A_73 iter_args(%scan3A_137 = %scan3A_69) -> (i32)  : i32 {
      %mul3A_138 = arith.constant 16 : i32
      %mul3A_139 = arith.muli %scan3A_136, %mul3A_138 : i32
      %add3A_140 = arith.constant 128 : i32
      %add3A_141 = arith.addi %add3A_140, %mul3A_139 : i32
      %add3A_142 = vector.broadcast %add3A_141 : i32 to vector<16xi32>
      %add3A_143 = arith.addi %iota3A, %add3A_142 : vector<16xi32>
      %mul3A_144 = arith.constant 16 : i32
      %mul3A_145 = arith.muli %scan3A_136, %mul3A_144 : i32
      %swap3A = arith.constant 0 : i32
      %swap3A_146 = arith.index_cast %swap3A : i32 to index
      %swap3A_147 = arith.index_cast %mul3A_145 : i32 to index
      %swap3A_148 = tpu.vector_load %arg15[%swap3A_146, %swap3A_147] {strides = array<i32>} : memref<1x48xi32, #tpu.memory_space<vmem>>, vector<16xi32>,
      tpu.vector_store %arg15[%swap3A_146, %swap3A_147], %add3A_143 {strides = array<i32>} : memref<1x48xi32, #tpu.memory_space<vmem>>, vector<16xi32>,
      %scan3A_149 = arith.constant 0 : i32
      scf.yield %scan3A_149 : i32
    }
    %scan3A_75 = arith.constant 3 : i32
    %run_scoped3A_76 = arith.constant 0 : i32
    "tpu.region"() ({
      %run_scoped3A_136 = tpu.sem_alloc : memref<!tpu.dma_semaphore, #tpu.memory_space<semaphore_mem>>
      %dma_start3A = arith.constant 0 : i32
      %dma_start3A_137 = tpu.memref_slice %arg15[%run_scoped3A_76, %dma_start3A] : memref<1x48xi32, #tpu.memory_space<vmem>> -> memref<1x48xi32, #tpu.memory_space<vmem>>
      %dma_start3A_138 = tpu.memref_squeeze %dma_start3A_137 : memref<1x48xi32, #tpu.memory_space<vmem>> -> memref<48xi32, #tpu.memory_space<vmem>>
      %dma_start3A_139 = arith.constant 0 : i32
      %dma_start3A_140 = arith.constant 0 : i32
      %dma_start3A_141 = tpu.memref_slice %arg22[%dma_start3A_139, %dma_start3A_140] : memref<256x128xf32, #tpu.memory_space<vmem_shared>> -> memref<256x128xf32, #tpu.memory_space<vmem_shared>>
      tpu.enqueue_indirect_dma source(%arg13 : memref<48x128xf32, #tpu.memory_space<vmem>>) target(%dma_start3A_141 : memref<256x128xf32, #tpu.memory_space<vmem_shared>>) offsets(%dma_start3A_138 : memref<48xi32, #tpu.memory_space<vmem>>) semaphore(%run_scoped3A_136 : memref<!tpu.dma_semaphore, #tpu.memory_space<semaphore_mem>>) {add = true}
      %dma_wait3A = arith.constant 0 : i32
      %dma_wait3A_142 = tpu.memref_slice %arg15[%run_scoped3A_76, %dma_wait3A] : memref<1x48xi32, #tpu.memory_space<vmem>> -> memref<1x48xi32, #tpu.memory_space<vmem>>
      %dma_wait3A_143 = tpu.memref_squeeze %dma_wait3A_142 : memref<1x48xi32, #tpu.memory_space<vmem>> -> memref<48xi32, #tpu.memory_space<vmem>>
      %dma_wait3A_144 = arith.constant 0 : i32
      %dma_wait3A_145 = arith.constant 0 : i32
      %dma_wait3A_146 = tpu.memref_slice %arg22[%dma_wait3A_144, %dma_wait3A_145] : memref<256x128xf32, #tpu.memory_space<vmem_shared>> -> memref<256x128xf32, #tpu.memory_space<vmem_shared>>
      tpu.wait_indirect_dma semaphore(%run_scoped3A_136 : memref<!tpu.dma_semaphore, #tpu.memory_space<semaphore_mem>>) src(%arg13 : memref<48x128xf32, #tpu.memory_space<vmem>>) dst(%dma_wait3A_146 : memref<256x128xf32, #tpu.memory_space<vmem_shared>>)
      tpu.yield
    }) : () -> ()
    %scan3A_77 = arith.constant 0 : i32
    %scan3A_78 = arith.constant 0 : i32
    %scan3A_79 = arith.constant 384 : i32
    %scan3A_80 = arith.addi %scan3A_78, %scan3A_79 : i32
    %scan3A_81 = arith.constant 1 : i32
    %scan3A_82 = scf.for %scan3A_136 = %scan3A_78 to %scan3A_80 step %scan3A_81 iter_args(%scan3A_137 = %scan3A_77) -> (i32)  : i32 {
      %shift_right_arithmetic3A = arith.constant 3 : i32
      %shift_right_arithmetic3A_138 = arith.shrsi %scan3A_136, %shift_right_arithmetic3A : i32
      %and3A = arith.constant 7 : i32
      %and3A_139 = arith.andi %scan3A_136, %and3A : i32
      %mul3A_140 = arith.constant 16 : i32
      %mul3A_141 = arith.muli %and3A_139, %mul3A_140 : i32
      %swap3A = arith.index_cast %shift_right_arithmetic3A_138 : i32 to index
      %swap3A_142 = arith.index_cast %mul3A_141 : i32 to index
      %swap3A_143 = tpu.vector_load %arg13[%swap3A, %swap3A_142] {strides = array<i32>} : memref<48x128xf32, #tpu.memory_space<vmem>>, vector<16xf32>,
      tpu.vector_store %arg13[%swap3A, %swap3A_142], %broadcast_in_dim3A_1 {strides = array<i32>} : memref<48x128xf32, #tpu.memory_space<vmem>>, vector<16xf32>,
      %scan3A_144 = arith.constant 0 : i32
      scf.yield %scan3A_144 : i32
    }
    %scan3A_83 = arith.constant 384 : i32
    %scan3A_84 = arith.constant 0 : i32
    %scan3A_85 = arith.constant 0 : i32
    %scan3A_86 = arith.constant 20 : i32
    %scan3A_87 = arith.addi %scan3A_85, %scan3A_86 : i32
    %scan3A_88 = arith.constant 1 : i32
    %scan3A_89 = scf.for %scan3A_136 = %scan3A_85 to %scan3A_87 step %scan3A_88 iter_args(%scan3A_137 = %scan3A_84) -> (i32)  : i32 {
      %mul3A_138 = arith.constant 160 : i32
      %mul3A_139 = arith.muli %arg1, %mul3A_138 : i32
      %mul3A_140 = arith.constant 8 : i32
      %mul3A_141 = arith.muli %scan3A_136, %mul3A_140 : i32
      %add3A_142 = arith.addi %mul3A_139, %mul3A_141 : i32
      "tpu.region"() ({
        %run_scoped3A_151 = tpu.sem_alloc : memref<!tpu.dma_semaphore, #tpu.memory_space<semaphore_mem>>
        %dma_start3A = arith.constant 0 : i32
        %dma_start3A_152 = tpu.memref_slice %arg4[%add3A_142, %dma_start3A] : memref<2560x128xi32, #tpu.memory_space<hbm>> -> memref<8x128xi32, #tpu.memory_space<hbm>>
        %dma_start3A_153 = arith.constant 0 : i32
        %dma_start3A_154 = tpu.memref_slice %arg4[%add3A_142, %dma_start3A_153] : memref<2560x128xi32, #tpu.memory_space<hbm>> -> memref<8x128xi32, #tpu.memory_space<hbm>>
        tpu.enqueue_dma source(%dma_start3A_154 : memref<8x128xi32, #tpu.memory_space<hbm>>) target(%arg7 : memref<8x128xi32, #tpu.memory_space<vmem>>) target_semaphore(%run_scoped3A_151 : memref<!tpu.dma_semaphore, #tpu.memory_space<semaphore_mem>>)
        %dma_wait3A = arith.constant 0 : i32
        %dma_wait3A_155 = tpu.memref_slice %arg4[%add3A_142, %dma_wait3A] : memref<2560x128xi32, #tpu.memory_space<hbm>> -> memref<8x128xi32, #tpu.memory_space<hbm>>
        %dma_wait3A_156 = arith.constant 0 : i32
        %dma_wait3A_157 = tpu.memref_slice %arg4[%add3A_142, %dma_wait3A_156] : memref<2560x128xi32, #tpu.memory_space<hbm>> -> memref<8x128xi32, #tpu.memory_space<hbm>>
        tpu.wait_dma2 semaphore(%run_scoped3A_151 : memref<!tpu.dma_semaphore, #tpu.memory_space<semaphore_mem>>) src(%dma_wait3A_157 : memref<8x128xi32, #tpu.memory_space<hbm>>) dst(%arg7 : memref<8x128xi32, #tpu.memory_space<vmem>>)
        tpu.yield
      }) : () -> ()
      %scan3A_143 = arith.constant 0 : i32
      %scan3A_144 = arith.constant 0 : i32
      %scan3A_145 = arith.constant 64 : i32
      %scan3A_146 = arith.addi %scan3A_144, %scan3A_145 : i32
      %scan3A_147 = arith.constant 1 : i32
      %scan3A_148 = scf.for %scan3A_151 = %scan3A_144 to %scan3A_146 step %scan3A_147 iter_args(%scan3A_152 = %scan3A_143) -> (i32)  : i32 {
        %shift_right_arithmetic3A = arith.constant 3 : i32
        %shift_right_arithmetic3A_153 = arith.shrsi %scan3A_151, %shift_right_arithmetic3A : i32
        %and3A = arith.constant 7 : i32
        %and3A_154 = arith.andi %scan3A_151, %and3A : i32
        %mul3A_155 = arith.constant 16 : i32
        %mul3A_156 = arith.muli %and3A_154, %mul3A_155 : i32
        %get3A = arith.index_cast %shift_right_arithmetic3A_153 : i32 to index
        %get3A_157 = arith.index_cast %mul3A_156 : i32 to index
        %get3A_158 = tpu.vector_load %arg7[%get3A, %get3A_157] {strides = array<i32>} : memref<8x128xi32, #tpu.memory_space<vmem>>, vector<16xi32>,
        %sub3A = arith.constant 5120 : i32
        %sub3A_159 = vector.broadcast %sub3A : i32 to vector<16xi32>
        %sub3A_160 = arith.subi %get3A_158, %sub3A_159 : vector<16xi32>
        %ge3A = arith.constant 0 : i32
        %ge3A_161 = vector.broadcast %ge3A : i32 to vector<16xi32>
        %ge3A_162 = arith.cmpi sge, %sub3A_160, %ge3A_161 : vector<16xi32>
        %lt3A = arith.constant 5120 : i32
        %lt3A_163 = vector.broadcast %lt3A : i32 to vector<16xi32>
        %lt3A_164 = arith.cmpi slt, %sub3A_160, %lt3A_163 : vector<16xi32>
        %and3A_165 = arith.andi %ge3A_162, %lt3A_164 : vector<16xi1>
        %shift_right_arithmetic3A_166 = arith.constant 7 : i32
        %shift_right_arithmetic3A_167 = vector.broadcast %shift_right_arithmetic3A_166 : i32 to vector<16xi32>
        %shift_right_arithmetic3A_168 = arith.shrsi %sub3A_160, %shift_right_arithmetic3A_167 : vector<16xi32>
        %and3A_169 = arith.constant 127 : i32
        %and3A_170 = vector.broadcast %and3A_169 : i32 to vector<16xi32>
        %and3A_171 = arith.andi %sub3A_160, %and3A_170 : vector<16xi32>
        tpu.vector_store_idx %arg13[%shift_right_arithmetic3A_168, %and3A_171], %broadcast_in_dim3A_3 masked %and3A_165 {add = true} : memref<48x128xf32, #tpu.memory_space<vmem>>[vector<16xi32>, vector<16xi32>], vector<16xf32>, vector<16xi1>
        %scan3A_172 = arith.constant 0 : i32
        scf.yield %scan3A_172 : i32
      }
      %scan3A_149 = arith.constant 64 : i32
      %scan3A_150 = arith.constant 0 : i32
      scf.yield %scan3A_150 : i32
    }
    %scan3A_90 = arith.constant 20 : i32
    %scan3A_91 = arith.constant 0 : i32
    %scan3A_92 = arith.constant 0 : i32
    %scan3A_93 = arith.constant 3 : i32
    %scan3A_94 = arith.addi %scan3A_92, %scan3A_93 : i32
    %scan3A_95 = arith.constant 1 : i32
    %scan3A_96 = scf.for %scan3A_136 = %scan3A_92 to %scan3A_94 step %scan3A_95 iter_args(%scan3A_137 = %scan3A_91) -> (i32)  : i32 {
      %mul3A_138 = arith.constant 16 : i32
      %mul3A_139 = arith.muli %scan3A_136, %mul3A_138 : i32
      %add3A_140 = arith.constant 168 : i32
      %add3A_141 = arith.addi %add3A_140, %mul3A_139 : i32
      %add3A_142 = vector.broadcast %add3A_141 : i32 to vector<16xi32>
      %add3A_143 = arith.addi %iota3A, %add3A_142 : vector<16xi32>
      %mul3A_144 = arith.constant 16 : i32
      %mul3A_145 = arith.muli %scan3A_136, %mul3A_144 : i32
      %swap3A = arith.constant 0 : i32
      %swap3A_146 = arith.index_cast %swap3A : i32 to index
      %swap3A_147 = arith.index_cast %mul3A_145 : i32 to index
      %swap3A_148 = tpu.vector_load %arg15[%swap3A_146, %swap3A_147] {strides = array<i32>} : memref<1x48xi32, #tpu.memory_space<vmem>>, vector<16xi32>,
      tpu.vector_store %arg15[%swap3A_146, %swap3A_147], %add3A_143 {strides = array<i32>} : memref<1x48xi32, #tpu.memory_space<vmem>>, vector<16xi32>,
      %scan3A_149 = arith.constant 0 : i32
      scf.yield %scan3A_149 : i32
    }
    %scan3A_97 = arith.constant 3 : i32
    %run_scoped3A_98 = arith.constant 0 : i32
    "tpu.region"() ({
      %run_scoped3A_136 = tpu.sem_alloc : memref<!tpu.dma_semaphore, #tpu.memory_space<semaphore_mem>>
      %dma_start3A = arith.constant 0 : i32
      %dma_start3A_137 = tpu.memref_slice %arg15[%run_scoped3A_98, %dma_start3A] : memref<1x48xi32, #tpu.memory_space<vmem>> -> memref<1x48xi32, #tpu.memory_space<vmem>>
      %dma_start3A_138 = tpu.memref_squeeze %dma_start3A_137 : memref<1x48xi32, #tpu.memory_space<vmem>> -> memref<48xi32, #tpu.memory_space<vmem>>
      %dma_start3A_139 = arith.constant 0 : i32
      %dma_start3A_140 = arith.constant 0 : i32
      %dma_start3A_141 = tpu.memref_slice %arg22[%dma_start3A_139, %dma_start3A_140] : memref<256x128xf32, #tpu.memory_space<vmem_shared>> -> memref<256x128xf32, #tpu.memory_space<vmem_shared>>
      tpu.enqueue_indirect_dma source(%arg13 : memref<48x128xf32, #tpu.memory_space<vmem>>) target(%dma_start3A_141 : memref<256x128xf32, #tpu.memory_space<vmem_shared>>) offsets(%dma_start3A_138 : memref<48xi32, #tpu.memory_space<vmem>>) semaphore(%run_scoped3A_136 : memref<!tpu.dma_semaphore, #tpu.memory_space<semaphore_mem>>) {add = true}
      %dma_wait3A = arith.constant 0 : i32
      %dma_wait3A_142 = tpu.memref_slice %arg15[%run_scoped3A_98, %dma_wait3A] : memref<1x48xi32, #tpu.memory_space<vmem>> -> memref<1x48xi32, #tpu.memory_space<vmem>>
      %dma_wait3A_143 = tpu.memref_squeeze %dma_wait3A_142 : memref<1x48xi32, #tpu.memory_space<vmem>> -> memref<48xi32, #tpu.memory_space<vmem>>
      %dma_wait3A_144 = arith.constant 0 : i32
      %dma_wait3A_145 = arith.constant 0 : i32
      %dma_wait3A_146 = tpu.memref_slice %arg22[%dma_wait3A_144, %dma_wait3A_145] : memref<256x128xf32, #tpu.memory_space<vmem_shared>> -> memref<256x128xf32, #tpu.memory_space<vmem_shared>>
      tpu.wait_indirect_dma semaphore(%run_scoped3A_136 : memref<!tpu.dma_semaphore, #tpu.memory_space<semaphore_mem>>) src(%arg13 : memref<48x128xf32, #tpu.memory_space<vmem>>) dst(%dma_wait3A_146 : memref<256x128xf32, #tpu.memory_space<vmem_shared>>)
      tpu.yield
    }) : () -> ()
    %barrier3A_99 = arith.constant 0 : index
    tpu.barrier barrier_id(%barrier3A_99)
    %mul3A_100 = arith.constant 5 : i32
    %mul3A_101 = arith.muli %mul3A_100, %arg1 : i32
    "tpu.region"() ({
      %run_scoped3A_136 = tpu.sem_alloc : memref<!tpu.dma_semaphore, #tpu.memory_space<semaphore_mem>>
      %dma_start3A = arith.constant 0 : i32
      %dma_start3A_137 = tpu.memref_slice %arg22[%mul3A_101, %dma_start3A] : memref<256x128xf32, #tpu.memory_space<vmem_shared>> -> memref<5x128xf32, #tpu.memory_space<vmem_shared>>
      %dma_start3A_138 = arith.constant 0 : i32
      %dma_start3A_139 = tpu.memref_slice %arg22[%mul3A_101, %dma_start3A_138] : memref<256x128xf32, #tpu.memory_space<vmem_shared>> -> memref<5x128xf32, #tpu.memory_space<vmem_shared>>
      tpu.enqueue_dma source(%dma_start3A_139 : memref<5x128xf32, #tpu.memory_space<vmem_shared>>) target(%arg16 : memref<5x128xf32, #tpu.memory_space<vmem>>) target_semaphore(%run_scoped3A_136 : memref<!tpu.dma_semaphore, #tpu.memory_space<semaphore_mem>>)
      %dma_wait3A = arith.constant 0 : i32
      %dma_wait3A_140 = tpu.memref_slice %arg22[%mul3A_101, %dma_wait3A] : memref<256x128xf32, #tpu.memory_space<vmem_shared>> -> memref<5x128xf32, #tpu.memory_space<vmem_shared>>
      %dma_wait3A_141 = arith.constant 0 : i32
      %dma_wait3A_142 = tpu.memref_slice %arg22[%mul3A_101, %dma_wait3A_141] : memref<256x128xf32, #tpu.memory_space<vmem_shared>> -> memref<5x128xf32, #tpu.memory_space<vmem_shared>>
      tpu.wait_dma2 semaphore(%run_scoped3A_136 : memref<!tpu.dma_semaphore, #tpu.memory_space<semaphore_mem>>) src(%dma_wait3A_142 : memref<5x128xf32, #tpu.memory_space<vmem_shared>>) dst(%arg16 : memref<5x128xf32, #tpu.memory_space<vmem>>)
      tpu.yield
    }) : () -> ()
    %mul3A_102 = arith.constant 5 : i32
    %mul3A_103 = arith.muli %mul3A_102, %arg1 : i32
    %add3A = arith.constant 128 : i32
    %add3A_104 = arith.addi %add3A, %mul3A_103 : i32
    "tpu.region"() ({
      %run_scoped3A_136 = tpu.sem_alloc : memref<!tpu.dma_semaphore, #tpu.memory_space<semaphore_mem>>
      %dma_start3A = arith.constant 0 : i32
      %dma_start3A_137 = tpu.memref_slice %arg22[%add3A_104, %dma_start3A] : memref<256x128xf32, #tpu.memory_space<vmem_shared>> -> memref<5x128xf32, #tpu.memory_space<vmem_shared>>
      %dma_start3A_138 = arith.constant 0 : i32
      %dma_start3A_139 = tpu.memref_slice %arg22[%add3A_104, %dma_start3A_138] : memref<256x128xf32, #tpu.memory_space<vmem_shared>> -> memref<5x128xf32, #tpu.memory_space<vmem_shared>>
      tpu.enqueue_dma source(%dma_start3A_139 : memref<5x128xf32, #tpu.memory_space<vmem_shared>>) target(%arg17 : memref<5x128xf32, #tpu.memory_space<vmem>>) target_semaphore(%run_scoped3A_136 : memref<!tpu.dma_semaphore, #tpu.memory_space<semaphore_mem>>)
      %dma_wait3A = arith.constant 0 : i32
      %dma_wait3A_140 = tpu.memref_slice %arg22[%add3A_104, %dma_wait3A] : memref<256x128xf32, #tpu.memory_space<vmem_shared>> -> memref<5x128xf32, #tpu.memory_space<vmem_shared>>
      %dma_wait3A_141 = arith.constant 0 : i32
      %dma_wait3A_142 = tpu.memref_slice %arg22[%add3A_104, %dma_wait3A_141] : memref<256x128xf32, #tpu.memory_space<vmem_shared>> -> memref<5x128xf32, #tpu.memory_space<vmem_shared>>
      tpu.wait_dma2 semaphore(%run_scoped3A_136 : memref<!tpu.dma_semaphore, #tpu.memory_space<semaphore_mem>>) src(%dma_wait3A_142 : memref<5x128xf32, #tpu.memory_space<vmem_shared>>) dst(%arg17 : memref<5x128xf32, #tpu.memory_space<vmem>>)
      tpu.yield
    }) : () -> ()
    %scan3A_105 = arith.constant 0 : i32
    %scan3A_106 = arith.constant 0 : i32
    %scan3A_107 = arith.constant 40 : i32
    %scan3A_108 = arith.addi %scan3A_106, %scan3A_107 : i32
    %scan3A_109 = arith.constant 1 : i32
    %scan3A_110 = scf.for %scan3A_136 = %scan3A_106 to %scan3A_108 step %scan3A_109 iter_args(%scan3A_137 = %scan3A_105) -> (i32)  : i32 {
      %shift_right_arithmetic3A = arith.constant 3 : i32
      %shift_right_arithmetic3A_138 = arith.shrsi %scan3A_136, %shift_right_arithmetic3A : i32
      %and3A = arith.constant 7 : i32
      %and3A_139 = arith.andi %scan3A_136, %and3A : i32
      %mul3A_140 = arith.constant 16 : i32
      %mul3A_141 = arith.muli %and3A_139, %mul3A_140 : i32
      %get3A = arith.index_cast %shift_right_arithmetic3A_138 : i32 to index
      %get3A_142 = arith.index_cast %mul3A_141 : i32 to index
      %get3A_143 = tpu.vector_load %arg16[%get3A, %get3A_142] {strides = array<i32>} : memref<5x128xf32, #tpu.memory_space<vmem>>, vector<16xf32>,
      %add3A_144 = arith.constant 1.000000e+00 : f32
      %add3A_145 = vector.broadcast %add3A_144 : f32 to vector<16xf32>
      %add3A_146 = arith.addf %get3A_143, %add3A_145 : vector<16xf32>
      %bitcast3A = vector.bitcast %add3A_146 : vector<16xf32> to vector<16xi32>
      %shift_right_arithmetic3A_147 = arith.constant 1 : i32
      %shift_right_arithmetic3A_148 = vector.broadcast %shift_right_arithmetic3A_147 : i32 to vector<16xi32>
      %shift_right_arithmetic3A_149 = arith.shrsi %bitcast3A, %shift_right_arithmetic3A_148 : vector<16xi32>
      %sub3A = arith.constant 1597463007 : i32
      %sub3A_150 = vector.broadcast %sub3A : i32 to vector<16xi32>
      %sub3A_151 = arith.subi %sub3A_150, %shift_right_arithmetic3A_149 : vector<16xi32>
      %bitcast3A_152 = vector.bitcast %sub3A_151 : vector<16xi32> to vector<16xf32>
      %mul3A_153 = arith.constant 5.000000e-01 : f32
      %mul3A_154 = vector.broadcast %mul3A_153 : f32 to vector<16xf32>
      %mul3A_155 = arith.mulf %mul3A_154, %add3A_146 : vector<16xf32>
      %mul3A_156 = arith.mulf %mul3A_155, %bitcast3A_152 : vector<16xf32>
      %mul3A_157 = arith.mulf %mul3A_156, %bitcast3A_152 : vector<16xf32>
      %sub3A_158 = arith.constant 1.500000e+00 : f32
      %sub3A_159 = vector.broadcast %sub3A_158 : f32 to vector<16xf32>
      %sub3A_160 = arith.subf %sub3A_159, %mul3A_157 : vector<16xf32>
      %mul3A_161 = arith.mulf %bitcast3A_152, %sub3A_160 : vector<16xf32>
      %mul3A_162 = arith.constant 5.000000e-01 : f32
      %mul3A_163 = vector.broadcast %mul3A_162 : f32 to vector<16xf32>
      %mul3A_164 = arith.mulf %mul3A_163, %add3A_146 : vector<16xf32>
      %mul3A_165 = arith.mulf %mul3A_164, %mul3A_161 : vector<16xf32>
      %mul3A_166 = arith.mulf %mul3A_165, %mul3A_161 : vector<16xf32>
      %sub3A_167 = arith.constant 1.500000e+00 : f32
      %sub3A_168 = vector.broadcast %sub3A_167 : f32 to vector<16xf32>
      %sub3A_169 = arith.subf %sub3A_168, %mul3A_166 : vector<16xf32>
      %mul3A_170 = arith.mulf %mul3A_161, %sub3A_169 : vector<16xf32>
      %mul3A_171 = arith.constant 5.000000e-01 : f32
      %mul3A_172 = vector.broadcast %mul3A_171 : f32 to vector<16xf32>
      %mul3A_173 = arith.mulf %mul3A_172, %add3A_146 : vector<16xf32>
      %mul3A_174 = arith.mulf %mul3A_173, %mul3A_170 : vector<16xf32>
      %mul3A_175 = arith.mulf %mul3A_174, %mul3A_170 : vector<16xf32>
      %sub3A_176 = arith.constant 1.500000e+00 : f32
      %sub3A_177 = vector.broadcast %sub3A_176 : f32 to vector<16xf32>
      %sub3A_178 = arith.subf %sub3A_177, %mul3A_175 : vector<16xf32>
      %mul3A_179 = arith.mulf %mul3A_170, %sub3A_178 : vector<16xf32>
      %mul3A_180 = arith.mulf %add3A_146, %mul3A_179 : vector<16xf32>
      %swap3A = arith.index_cast %shift_right_arithmetic3A_138 : i32 to index
      %swap3A_181 = arith.index_cast %mul3A_141 : i32 to index
      %swap3A_182 = tpu.vector_load %arg18[%swap3A, %swap3A_181] {strides = array<i32>} : memref<5x128xf32, #tpu.memory_space<vmem>>, vector<16xf32>,
      tpu.vector_store %arg18[%swap3A, %swap3A_181], %mul3A_180 {strides = array<i32>} : memref<5x128xf32, #tpu.memory_space<vmem>>, vector<16xf32>,
      %swap3A_183 = arith.index_cast %shift_right_arithmetic3A_138 : i32 to index
      %swap3A_184 = arith.index_cast %mul3A_141 : i32 to index
      %swap3A_185 = tpu.vector_load %arg16[%swap3A_183, %swap3A_184] {strides = array<i32>} : memref<5x128xf32, #tpu.memory_space<vmem>>, vector<16xf32>,
      tpu.vector_store %arg16[%swap3A_183, %swap3A_184], %mul3A_179 {strides = array<i32>} : memref<5x128xf32, #tpu.memory_space<vmem>>, vector<16xf32>,
      %get3A_186 = arith.index_cast %shift_right_arithmetic3A_138 : i32 to index
      %get3A_187 = arith.index_cast %mul3A_141 : i32 to index
      %get3A_188 = tpu.vector_load %arg17[%get3A_186, %get3A_187] {strides = array<i32>} : memref<5x128xf32, #tpu.memory_space<vmem>>, vector<16xf32>,
      %add3A_189 = arith.constant 1.000000e+00 : f32
      %add3A_190 = vector.broadcast %add3A_189 : f32 to vector<16xf32>
      %add3A_191 = arith.addf %get3A_188, %add3A_190 : vector<16xf32>
      %bitcast3A_192 = vector.bitcast %add3A_191 : vector<16xf32> to vector<16xi32>
      %shift_right_arithmetic3A_193 = arith.constant 1 : i32
      %shift_right_arithmetic3A_194 = vector.broadcast %shift_right_arithmetic3A_193 : i32 to vector<16xi32>
      %shift_right_arithmetic3A_195 = arith.shrsi %bitcast3A_192, %shift_right_arithmetic3A_194 : vector<16xi32>
      %sub3A_196 = arith.constant 1597463007 : i32
      %sub3A_197 = vector.broadcast %sub3A_196 : i32 to vector<16xi32>
      %sub3A_198 = arith.subi %sub3A_197, %shift_right_arithmetic3A_195 : vector<16xi32>
      %bitcast3A_199 = vector.bitcast %sub3A_198 : vector<16xi32> to vector<16xf32>
      %mul3A_200 = arith.constant 5.000000e-01 : f32
      %mul3A_201 = vector.broadcast %mul3A_200 : f32 to vector<16xf32>
      %mul3A_202 = arith.mulf %mul3A_201, %add3A_191 : vector<16xf32>
      %mul3A_203 = arith.mulf %mul3A_202, %bitcast3A_199 : vector<16xf32>
      %mul3A_204 = arith.mulf %mul3A_203, %bitcast3A_199 : vector<16xf32>
      %sub3A_205 = arith.constant 1.500000e+00 : f32
      %sub3A_206 = vector.broadcast %sub3A_205 : f32 to vector<16xf32>
      %sub3A_207 = arith.subf %sub3A_206, %mul3A_204 : vector<16xf32>
      %mul3A_208 = arith.mulf %bitcast3A_199, %sub3A_207 : vector<16xf32>
      %mul3A_209 = arith.constant 5.000000e-01 : f32
      %mul3A_210 = vector.broadcast %mul3A_209 : f32 to vector<16xf32>
      %mul3A_211 = arith.mulf %mul3A_210, %add3A_191 : vector<16xf32>
      %mul3A_212 = arith.mulf %mul3A_211, %mul3A_208 : vector<16xf32>
      %mul3A_213 = arith.mulf %mul3A_212, %mul3A_208 : vector<16xf32>
      %sub3A_214 = arith.constant 1.500000e+00 : f32
      %sub3A_215 = vector.broadcast %sub3A_214 : f32 to vector<16xf32>
      %sub3A_216 = arith.subf %sub3A_215, %mul3A_213 : vector<16xf32>
      %mul3A_217 = arith.mulf %mul3A_208, %sub3A_216 : vector<16xf32>
      %mul3A_218 = arith.constant 5.000000e-01 : f32
      %mul3A_219 = vector.broadcast %mul3A_218 : f32 to vector<16xf32>
      %mul3A_220 = arith.mulf %mul3A_219, %add3A_191 : vector<16xf32>
      %mul3A_221 = arith.mulf %mul3A_220, %mul3A_217 : vector<16xf32>
      %mul3A_222 = arith.mulf %mul3A_221, %mul3A_217 : vector<16xf32>
      %sub3A_223 = arith.constant 1.500000e+00 : f32
      %sub3A_224 = vector.broadcast %sub3A_223 : f32 to vector<16xf32>
      %sub3A_225 = arith.subf %sub3A_224, %mul3A_222 : vector<16xf32>
      %mul3A_226 = arith.mulf %mul3A_217, %sub3A_225 : vector<16xf32>
      %swap3A_227 = arith.index_cast %shift_right_arithmetic3A_138 : i32 to index
      %swap3A_228 = arith.index_cast %mul3A_141 : i32 to index
      %swap3A_229 = tpu.vector_load %arg17[%swap3A_227, %swap3A_228] {strides = array<i32>} : memref<5x128xf32, #tpu.memory_space<vmem>>, vector<16xf32>,
      tpu.vector_store %arg17[%swap3A_227, %swap3A_228], %mul3A_226 {strides = array<i32>} : memref<5x128xf32, #tpu.memory_space<vmem>>, vector<16xf32>,
      %get3A_230 = arith.index_cast %shift_right_arithmetic3A_138 : i32 to index
      %get3A_231 = arith.index_cast %mul3A_141 : i32 to index
      %get3A_232 = tpu.vector_load %arg17[%get3A_230, %get3A_231] {strides = array<i32>} : memref<5x128xf32, #tpu.memory_space<vmem>>, vector<16xf32>,
      %mul3A_233 = arith.mulf %mul3A_179, %get3A_232 : vector<16xf32>
      %mul3A_234 = arith.constant 16 : i32
      %mul3A_235 = arith.muli %scan3A_136, %mul3A_234 : i32
      %swap3A_236 = arith.index_cast %mul3A_235 : i32 to index
      %swap3A_237 = tpu.vector_load %arg19[%swap3A_236] {strides = array<i32>} : memref<640xf32, #tpu.memory_space<vmem>>, vector<16xf32>,
      tpu.vector_store %arg19[%swap3A_236], %mul3A_233 {strides = array<i32>} : memref<640xf32, #tpu.memory_space<vmem>>, vector<16xf32>,
      %scan3A_238 = arith.constant 0 : i32
      scf.yield %scan3A_238 : i32
    }
    %scan3A_111 = arith.constant 40 : i32
    %eq3A = arith.constant 0 : i32
    %eq3A_112 = arith.cmpi eq, %arg0, %eq3A : i32
    %convert_element_type3A = arith.extui %eq3A_112 : i1 to i32
    %cond3A = arith.constant 0 : i32
    %cond3A_113 = arith.cmpi ne, %convert_element_type3A, %cond3A : i32
    scf.if %cond3A_113 {
      %mul3A_136 = arith.constant 5 : i32
      %mul3A_137 = arith.muli %mul3A_136, %arg1 : i32
      "tpu.region"() ({
        %run_scoped3A_138 = tpu.sem_alloc : memref<!tpu.dma_semaphore, #tpu.memory_space<semaphore_mem>>
        %dma_start3A = arith.constant 0 : i32
        %dma_start3A_139 = tpu.memref_slice %arg6[%mul3A_137, %dma_start3A] : memref<80x128xf32, #tpu.memory_space<hbm>> -> memref<5x128xf32, #tpu.memory_space<hbm>>
        %dma_start3A_140 = arith.constant 0 : i32
        %dma_start3A_141 = tpu.memref_slice %arg6[%mul3A_137, %dma_start3A_140] : memref<80x128xf32, #tpu.memory_space<hbm>> -> memref<5x128xf32, #tpu.memory_space<hbm>>
        tpu.enqueue_dma source(%arg18 : memref<5x128xf32, #tpu.memory_space<vmem>>) target(%dma_start3A_141 : memref<5x128xf32, #tpu.memory_space<hbm>>) target_semaphore(%run_scoped3A_138 : memref<!tpu.dma_semaphore, #tpu.memory_space<semaphore_mem>>)
        %dma_wait3A = arith.constant 0 : i32
        %dma_wait3A_142 = tpu.memref_slice %arg6[%mul3A_137, %dma_wait3A] : memref<80x128xf32, #tpu.memory_space<hbm>> -> memref<5x128xf32, #tpu.memory_space<hbm>>
        %dma_wait3A_143 = arith.constant 0 : i32
        %dma_wait3A_144 = tpu.memref_slice %arg6[%mul3A_137, %dma_wait3A_143] : memref<80x128xf32, #tpu.memory_space<hbm>> -> memref<5x128xf32, #tpu.memory_space<hbm>>
        tpu.wait_dma2 semaphore(%run_scoped3A_138 : memref<!tpu.dma_semaphore, #tpu.memory_space<semaphore_mem>>) src(%arg18 : memref<5x128xf32, #tpu.memory_space<vmem>>) dst(%dma_wait3A_144 : memref<5x128xf32, #tpu.memory_space<hbm>>)
        tpu.yield
      }) : () -> ()
    } else {
    }
    %scan3A_114 = arith.constant 0 : i32
    %scan3A_115 = arith.constant 0 : i32
    %scan3A_116 = arith.constant 640 : i32
    %scan3A_117 = arith.addi %scan3A_115, %scan3A_116 : i32
    %scan3A_118 = arith.constant 1 : i32
    %scan3A_119 = scf.for %scan3A_136 = %scan3A_115 to %scan3A_117 step %scan3A_118 iter_args(%scan3A_137 = %scan3A_114) -> (i32)  : i32 {
      %shift_right_arithmetic3A = arith.constant 7 : i32
      %shift_right_arithmetic3A_138 = arith.shrsi %scan3A_136, %shift_right_arithmetic3A : i32
      %broadcast_in_dim3A_139 = vector.broadcast %shift_right_arithmetic3A_138 : i32 to vector<16xi32>
      %and3A = arith.constant 127 : i32
      %and3A_140 = arith.andi %scan3A_136, %and3A : i32
      %broadcast_in_dim3A_141 = vector.broadcast %and3A_140 : i32 to vector<16xi32>
      %gather3A = tpu.vector_load_idx %arg16[%broadcast_in_dim3A_139, %broadcast_in_dim3A_141] : memref<5x128xf32, #tpu.memory_space<vmem>>[vector<16xi32>, vector<16xi32>], vector<16xf32>,
      %get3A = arith.index_cast %scan3A_136 : i32 to index
      %get3A_142 = arith.constant 0 : index
      %get3A_143 = tpu.vector_load %arg11[%get3A, %get3A_142] {strides = array<i32>} : memref<640x32xf32, #tpu.memory_space<vmem>>, vector<16xf32>,
      %mul3A_144 = arith.mulf %gather3A, %get3A_143 : vector<16xf32>
      %swap3A = arith.index_cast %scan3A_136 : i32 to index
      %swap3A_145 = arith.constant 0 : index
      %swap3A_146 = tpu.vector_load %arg9[%swap3A, %swap3A_145] {strides = array<i32>} : memref<640x32xf32, #tpu.memory_space<vmem>>, vector<16xf32>,
      tpu.vector_store %arg9[%swap3A, %swap3A_145], %mul3A_144 {strides = array<i32>} : memref<640x32xf32, #tpu.memory_space<vmem>>, vector<16xf32>,
      %mul3A_147 = arith.constant 1.000000e-01 : f32
      %mul3A_148 = vector.broadcast %mul3A_147 : f32 to vector<16xf32>
      %mul3A_149 = arith.mulf %mul3A_148, %mul3A_144 : vector<16xf32>
      %swap3A_150 = arith.index_cast %scan3A_136 : i32 to index
      %swap3A_151 = arith.constant 0 : index
      %swap3A_152 = tpu.vector_load %arg10[%swap3A_150, %swap3A_151] {strides = array<i32>} : memref<640x32xf32, #tpu.memory_space<vmem>>, vector<16xf32>,
      tpu.vector_store %arg10[%swap3A_150, %swap3A_151], %mul3A_149 {strides = array<i32>} : memref<640x32xf32, #tpu.memory_space<vmem>>, vector<16xf32>,
      %get3A_153 = arith.index_cast %scan3A_136 : i32 to index
      %get3A_154 = arith.constant 16 : index
      %get3A_155 = tpu.vector_load %arg11[%get3A_153, %get3A_154] {strides = array<i32>} : memref<640x32xf32, #tpu.memory_space<vmem>>, vector<16xf32>,
      %mul3A_156 = arith.mulf %gather3A, %get3A_155 : vector<16xf32>
      %swap3A_157 = arith.index_cast %scan3A_136 : i32 to index
      %swap3A_158 = arith.constant 16 : index
      %swap3A_159 = tpu.vector_load %arg9[%swap3A_157, %swap3A_158] {strides = array<i32>} : memref<640x32xf32, #tpu.memory_space<vmem>>, vector<16xf32>,
      tpu.vector_store %arg9[%swap3A_157, %swap3A_158], %mul3A_156 {strides = array<i32>} : memref<640x32xf32, #tpu.memory_space<vmem>>, vector<16xf32>,
      %mul3A_160 = arith.constant 1.000000e-01 : f32
      %mul3A_161 = vector.broadcast %mul3A_160 : f32 to vector<16xf32>
      %mul3A_162 = arith.mulf %mul3A_161, %mul3A_156 : vector<16xf32>
      %swap3A_163 = arith.index_cast %scan3A_136 : i32 to index
      %swap3A_164 = arith.constant 16 : index
      %swap3A_165 = tpu.vector_load %arg10[%swap3A_163, %swap3A_164] {strides = array<i32>} : memref<640x32xf32, #tpu.memory_space<vmem>>, vector<16xf32>,
      tpu.vector_store %arg10[%swap3A_163, %swap3A_164], %mul3A_162 {strides = array<i32>} : memref<640x32xf32, #tpu.memory_space<vmem>>, vector<16xf32>,
      %scan3A_166 = arith.constant 0 : i32
      scf.yield %scan3A_166 : i32
    }
    %scan3A_120 = arith.constant 640 : i32
    %scan3A_121 = arith.constant 0 : i32
    %scan3A_122 = arith.constant 0 : i32
    %scan3A_123 = arith.constant 640 : i32
    %scan3A_124 = arith.addi %scan3A_122, %scan3A_123 : i32
    %scan3A_125 = arith.constant 1 : i32
    %scan3A_126 = scf.for %scan3A_136 = %scan3A_122 to %scan3A_124 step %scan3A_125 iter_args(%scan3A_137 = %scan3A_121) -> (i32)  : i32 {
      %swap3A = arith.index_cast %scan3A_136 : i32 to index
      %swap3A_138 = arith.constant 0 : index
      %swap3A_139 = tpu.vector_load %arg11[%swap3A, %swap3A_138] {strides = array<i32>} : memref<640x32xf32, #tpu.memory_space<vmem>>, vector<16xf32>,
      tpu.vector_store %arg11[%swap3A, %swap3A_138], %broadcast_in_dim3A_1 {strides = array<i32>} : memref<640x32xf32, #tpu.memory_space<vmem>>, vector<16xf32>,
      %swap3A_140 = arith.index_cast %scan3A_136 : i32 to index
      %swap3A_141 = arith.constant 16 : index
      %swap3A_142 = tpu.vector_load %arg11[%swap3A_140, %swap3A_141] {strides = array<i32>} : memref<640x32xf32, #tpu.memory_space<vmem>>, vector<16xf32>,
      tpu.vector_store %arg11[%swap3A_140, %swap3A_141], %broadcast_in_dim3A_1 {strides = array<i32>} : memref<640x32xf32, #tpu.memory_space<vmem>>, vector<16xf32>,
      %scan3A_143 = arith.constant 0 : i32
      scf.yield %scan3A_143 : i32
    }
    %scan3A_127 = arith.constant 640 : i32
    "tpu.region"() ({
      %run_scoped3A_136 = tpu.sem_alloc : memref<!tpu.dma_semaphore, #tpu.memory_space<semaphore_mem>>
      %dma_start3A = arith.constant 0 : i32
      %dma_start3A_137 = tpu.memref_slice %arg21[%mul3A_0, %dma_start3A] : memref<10240x32xf32, #tpu.memory_space<vmem_shared>> -> memref<640x32xf32, #tpu.memory_space<vmem_shared>>
      %dma_start3A_138 = arith.constant 0 : i32
      %dma_start3A_139 = tpu.memref_slice %arg21[%mul3A_0, %dma_start3A_138] : memref<10240x32xf32, #tpu.memory_space<vmem_shared>> -> memref<640x32xf32, #tpu.memory_space<vmem_shared>>
      tpu.enqueue_dma source(%arg11 : memref<640x32xf32, #tpu.memory_space<vmem>>) target(%dma_start3A_139 : memref<640x32xf32, #tpu.memory_space<vmem_shared>>) target_semaphore(%run_scoped3A_136 : memref<!tpu.dma_semaphore, #tpu.memory_space<semaphore_mem>>)
      %dma_wait3A = arith.constant 0 : i32
      %dma_wait3A_140 = tpu.memref_slice %arg21[%mul3A_0, %dma_wait3A] : memref<10240x32xf32, #tpu.memory_space<vmem_shared>> -> memref<640x32xf32, #tpu.memory_space<vmem_shared>>
      %dma_wait3A_141 = arith.constant 0 : i32
      %dma_wait3A_142 = tpu.memref_slice %arg21[%mul3A_0, %dma_wait3A_141] : memref<10240x32xf32, #tpu.memory_space<vmem_shared>> -> memref<640x32xf32, #tpu.memory_space<vmem_shared>>
      tpu.wait_dma2 semaphore(%run_scoped3A_136 : memref<!tpu.dma_semaphore, #tpu.memory_space<semaphore_mem>>) src(%arg11 : memref<640x32xf32, #tpu.memory_space<vmem>>) dst(%dma_wait3A_142 : memref<640x32xf32, #tpu.memory_space<vmem_shared>>)
      tpu.yield
    }) : () -> ()
    "tpu.region"() ({
      %run_scoped3A_136 = tpu.sem_alloc : memref<!tpu.dma_semaphore, #tpu.memory_space<semaphore_mem>>
      %dma_start3A = arith.constant 0 : i32
      %dma_start3A_137 = tpu.memref_slice %arg20[%mul3A_0, %dma_start3A] : memref<10240x32xf32, #tpu.memory_space<vmem_shared>> -> memref<640x32xf32, #tpu.memory_space<vmem_shared>>
      %dma_start3A_138 = arith.constant 0 : i32
      %dma_start3A_139 = tpu.memref_slice %arg20[%mul3A_0, %dma_start3A_138] : memref<10240x32xf32, #tpu.memory_space<vmem_shared>> -> memref<640x32xf32, #tpu.memory_space<vmem_shared>>
      tpu.enqueue_dma source(%arg9 : memref<640x32xf32, #tpu.memory_space<vmem>>) target(%dma_start3A_139 : memref<640x32xf32, #tpu.memory_space<vmem_shared>>) target_semaphore(%run_scoped3A_136 : memref<!tpu.dma_semaphore, #tpu.memory_space<semaphore_mem>>)
      %dma_wait3A = arith.constant 0 : i32
      %dma_wait3A_140 = tpu.memref_slice %arg20[%mul3A_0, %dma_wait3A] : memref<10240x32xf32, #tpu.memory_space<vmem_shared>> -> memref<640x32xf32, #tpu.memory_space<vmem_shared>>
      %dma_wait3A_141 = arith.constant 0 : i32
      %dma_wait3A_142 = tpu.memref_slice %arg20[%mul3A_0, %dma_wait3A_141] : memref<10240x32xf32, #tpu.memory_space<vmem_shared>> -> memref<640x32xf32, #tpu.memory_space<vmem_shared>>
      tpu.wait_dma2 semaphore(%run_scoped3A_136 : memref<!tpu.dma_semaphore, #tpu.memory_space<semaphore_mem>>) src(%arg9 : memref<640x32xf32, #tpu.memory_space<vmem>>) dst(%dma_wait3A_142 : memref<640x32xf32, #tpu.memory_space<vmem_shared>>)
      tpu.yield
    }) : () -> ()
    %barrier3A_128 = arith.constant 0 : index
    tpu.barrier barrier_id(%barrier3A_128)
    %scan3A_129 = arith.constant 0 : i32
    %scan3A_130 = arith.constant 0 : i32
    %scan3A_131 = arith.constant 10 : i32
    %scan3A_132 = arith.addi %scan3A_130, %scan3A_131 : i32
    %scan3A_133 = arith.constant 1 : i32
    %scan3A_134 = scf.for %scan3A_136 = %scan3A_130 to %scan3A_132 step %scan3A_133 iter_args(%scan3A_137 = %scan3A_129) -> (i32)  : i32 {
      %scan3A_138 = arith.constant 0 : i32
      %scan3A_139 = arith.constant 0 : i32
      %scan3A_140 = arith.constant 20 : i32
      %scan3A_141 = arith.addi %scan3A_139, %scan3A_140 : i32
      %scan3A_142 = arith.constant 1 : i32
      %scan3A_143 = scf.for %scan3A_155 = %scan3A_139 to %scan3A_141 step %scan3A_142 iter_args(%scan3A_156 = %scan3A_138) -> (i32)  : i32 {
        %mul3A_157 = arith.constant 160 : i32
        %mul3A_158 = arith.muli %arg1, %mul3A_157 : i32
        %mul3A_159 = arith.constant 8 : i32
        %mul3A_160 = arith.muli %scan3A_155, %mul3A_159 : i32
        %add3A_161 = arith.addi %mul3A_158, %mul3A_160 : i32
        "tpu.region"() ({
          %run_scoped3A_179 = tpu.sem_alloc : memref<!tpu.dma_semaphore, #tpu.memory_space<semaphore_mem>>
          %dma_start3A = arith.constant 0 : i32
          %dma_start3A_180 = tpu.memref_slice %arg3[%add3A_161, %dma_start3A] : memref<2560x128xi32, #tpu.memory_space<hbm>> -> memref<8x128xi32, #tpu.memory_space<hbm>>
          %dma_start3A_181 = arith.constant 0 : i32
          %dma_start3A_182 = tpu.memref_slice %arg3[%add3A_161, %dma_start3A_181] : memref<2560x128xi32, #tpu.memory_space<hbm>> -> memref<8x128xi32, #tpu.memory_space<hbm>>
          tpu.enqueue_dma source(%dma_start3A_182 : memref<8x128xi32, #tpu.memory_space<hbm>>) target(%arg7 : memref<8x128xi32, #tpu.memory_space<vmem>>) target_semaphore(%run_scoped3A_179 : memref<!tpu.dma_semaphore, #tpu.memory_space<semaphore_mem>>)
          %dma_wait3A = arith.constant 0 : i32
          %dma_wait3A_183 = tpu.memref_slice %arg3[%add3A_161, %dma_wait3A] : memref<2560x128xi32, #tpu.memory_space<hbm>> -> memref<8x128xi32, #tpu.memory_space<hbm>>
          %dma_wait3A_184 = arith.constant 0 : i32
          %dma_wait3A_185 = tpu.memref_slice %arg3[%add3A_161, %dma_wait3A_184] : memref<2560x128xi32, #tpu.memory_space<hbm>> -> memref<8x128xi32, #tpu.memory_space<hbm>>
          tpu.wait_dma2 semaphore(%run_scoped3A_179 : memref<!tpu.dma_semaphore, #tpu.memory_space<semaphore_mem>>) src(%dma_wait3A_185 : memref<8x128xi32, #tpu.memory_space<hbm>>) dst(%arg7 : memref<8x128xi32, #tpu.memory_space<vmem>>)
          tpu.yield
        }) : () -> ()
        "tpu.region"() ({
          %run_scoped3A_179 = tpu.sem_alloc : memref<!tpu.dma_semaphore, #tpu.memory_space<semaphore_mem>>
          %dma_start3A = arith.constant 0 : i32
          %dma_start3A_180 = tpu.memref_slice %arg4[%add3A_161, %dma_start3A] : memref<2560x128xi32, #tpu.memory_space<hbm>> -> memref<8x128xi32, #tpu.memory_space<hbm>>
          %dma_start3A_181 = arith.constant 0 : i32
          %dma_start3A_182 = tpu.memref_slice %arg4[%add3A_161, %dma_start3A_181] : memref<2560x128xi32, #tpu.memory_space<hbm>> -> memref<8x128xi32, #tpu.memory_space<hbm>>
          tpu.enqueue_dma source(%dma_start3A_182 : memref<8x128xi32, #tpu.memory_space<hbm>>) target(%arg8 : memref<8x128xi32, #tpu.memory_space<vmem>>) target_semaphore(%run_scoped3A_179 : memref<!tpu.dma_semaphore, #tpu.memory_space<semaphore_mem>>)
          %dma_wait3A = arith.constant 0 : i32
          %dma_wait3A_183 = tpu.memref_slice %arg4[%add3A_161, %dma_wait3A] : memref<2560x128xi32, #tpu.memory_space<hbm>> -> memref<8x128xi32, #tpu.memory_space<hbm>>
          %dma_wait3A_184 = arith.constant 0 : i32
          %dma_wait3A_185 = tpu.memref_slice %arg4[%add3A_161, %dma_wait3A_184] : memref<2560x128xi32, #tpu.memory_space<hbm>> -> memref<8x128xi32, #tpu.memory_space<hbm>>
          tpu.wait_dma2 semaphore(%run_scoped3A_179 : memref<!tpu.dma_semaphore, #tpu.memory_space<semaphore_mem>>) src(%dma_wait3A_185 : memref<8x128xi32, #tpu.memory_space<hbm>>) dst(%arg8 : memref<8x128xi32, #tpu.memory_space<vmem>>)
          tpu.yield
        }) : () -> ()
        %run_scoped3A_162 = arith.constant 0 : i32
        "tpu.region"() ({
          %run_scoped3A_179 = tpu.sem_alloc : memref<!tpu.dma_semaphore, #tpu.memory_space<semaphore_mem>>
          %dma_start3A = arith.constant 0 : i32
          %dma_start3A_180 = tpu.memref_slice %arg7[%run_scoped3A_162, %dma_start3A] : memref<8x128xi32, #tpu.memory_space<vmem>> -> memref<1x128xi32, #tpu.memory_space<vmem>>
          %dma_start3A_181 = tpu.memref_squeeze %dma_start3A_180 : memref<1x128xi32, #tpu.memory_space<vmem>> -> memref<128xi32, #tpu.memory_space<vmem>>
          %dma_start3A_182 = arith.constant 0 : i32
          %dma_start3A_183 = arith.constant 0 : i32
          %dma_start3A_184 = tpu.memref_slice %arg20[%dma_start3A_182, %dma_start3A_183] : memref<10240x32xf32, #tpu.memory_space<vmem_shared>> -> memref<10240x32xf32, #tpu.memory_space<vmem_shared>>
          tpu.enqueue_indirect_dma source(%dma_start3A_184 : memref<10240x32xf32, #tpu.memory_space<vmem_shared>>) target(%arg12 : memref<128x32xf32, #tpu.memory_space<vmem>>) offsets(%dma_start3A_181 : memref<128xi32, #tpu.memory_space<vmem>>) semaphore(%run_scoped3A_179 : memref<!tpu.dma_semaphore, #tpu.memory_space<semaphore_mem>>)
          %dma_wait3A = arith.constant 0 : i32
          %dma_wait3A_185 = tpu.memref_slice %arg7[%run_scoped3A_162, %dma_wait3A] : memref<8x128xi32, #tpu.memory_space<vmem>> -> memref<1x128xi32, #tpu.memory_space<vmem>>
          %dma_wait3A_186 = tpu.memref_squeeze %dma_wait3A_185 : memref<1x128xi32, #tpu.memory_space<vmem>> -> memref<128xi32, #tpu.memory_space<vmem>>
          %dma_wait3A_187 = arith.constant 0 : i32
          %dma_wait3A_188 = arith.constant 0 : i32
          %dma_wait3A_189 = tpu.memref_slice %arg20[%dma_wait3A_187, %dma_wait3A_188] : memref<10240x32xf32, #tpu.memory_space<vmem_shared>> -> memref<10240x32xf32, #tpu.memory_space<vmem_shared>>
          tpu.wait_indirect_dma semaphore(%run_scoped3A_179 : memref<!tpu.dma_semaphore, #tpu.memory_space<semaphore_mem>>) src(%dma_wait3A_189 : memref<10240x32xf32, #tpu.memory_space<vmem_shared>>) dst(%arg12 : memref<128x32xf32, #tpu.memory_space<vmem>>)
          tpu.yield
        }) : () -> ()
        %run_scoped3A_163 = arith.constant 0 : i32
        "tpu.region"() ({
          %run_scoped3A_179 = tpu.sem_alloc : memref<!tpu.dma_semaphore, #tpu.memory_space<semaphore_mem>>
          %dma_start3A = arith.constant 0 : i32
          %dma_start3A_180 = tpu.memref_slice %arg8[%run_scoped3A_163, %dma_start3A] : memref<8x128xi32, #tpu.memory_space<vmem>> -> memref<1x128xi32, #tpu.memory_space<vmem>>
          %dma_start3A_181 = tpu.memref_squeeze %dma_start3A_180 : memref<1x128xi32, #tpu.memory_space<vmem>> -> memref<128xi32, #tpu.memory_space<vmem>>
          %dma_start3A_182 = arith.constant 0 : i32
          %dma_start3A_183 = arith.constant 0 : i32
          %dma_start3A_184 = tpu.memref_slice %arg21[%dma_start3A_182, %dma_start3A_183] : memref<10240x32xf32, #tpu.memory_space<vmem_shared>> -> memref<10240x32xf32, #tpu.memory_space<vmem_shared>>
          tpu.enqueue_indirect_dma source(%arg12 : memref<128x32xf32, #tpu.memory_space<vmem>>) target(%dma_start3A_184 : memref<10240x32xf32, #tpu.memory_space<vmem_shared>>) offsets(%dma_start3A_181 : memref<128xi32, #tpu.memory_space<vmem>>) semaphore(%run_scoped3A_179 : memref<!tpu.dma_semaphore, #tpu.memory_space<semaphore_mem>>) {add = true}
          %dma_wait3A = arith.constant 0 : i32
          %dma_wait3A_185 = tpu.memref_slice %arg8[%run_scoped3A_163, %dma_wait3A] : memref<8x128xi32, #tpu.memory_space<vmem>> -> memref<1x128xi32, #tpu.memory_space<vmem>>
          %dma_wait3A_186 = tpu.memref_squeeze %dma_wait3A_185 : memref<1x128xi32, #tpu.memory_space<vmem>> -> memref<128xi32, #tpu.memory_space<vmem>>
          %dma_wait3A_187 = arith.constant 0 : i32
          %dma_wait3A_188 = arith.constant 0 : i32
          %dma_wait3A_189 = tpu.memref_slice %arg21[%dma_wait3A_187, %dma_wait3A_188] : memref<10240x32xf32, #tpu.memory_space<vmem_shared>> -> memref<10240x32xf32, #tpu.memory_space<vmem_shared>>
          tpu.wait_indirect_dma semaphore(%run_scoped3A_179 : memref<!tpu.dma_semaphore, #tpu.memory_space<semaphore_mem>>) src(%arg12 : memref<128x32xf32, #tpu.memory_space<vmem>>) dst(%dma_wait3A_189 : memref<10240x32xf32, #tpu.memory_space<vmem_shared>>)
          tpu.yield
        }) : () -> ()
        %run_scoped3A_164 = arith.constant 1 : i32
        "tpu.region"() ({
          %run_scoped3A_179 = tpu.sem_alloc : memref<!tpu.dma_semaphore, #tpu.memory_space<semaphore_mem>>
          %dma_start3A = arith.constant 0 : i32
          %dma_start3A_180 = tpu.memref_slice %arg7[%run_scoped3A_164, %dma_start3A] : memref<8x128xi32, #tpu.memory_space<vmem>> -> memref<1x128xi32, #tpu.memory_space<vmem>>
          %dma_start3A_181 = tpu.memref_squeeze %dma_start3A_180 : memref<1x128xi32, #tpu.memory_space<vmem>> -> memref<128xi32, #tpu.memory_space<vmem>>
          %dma_start3A_182 = arith.constant 0 : i32
          %dma_start3A_183 = arith.constant 0 : i32
          %dma_start3A_184 = tpu.memref_slice %arg20[%dma_start3A_182, %dma_start3A_183] : memref<10240x32xf32, #tpu.memory_space<vmem_shared>> -> memref<10240x32xf32, #tpu.memory_space<vmem_shared>>
          tpu.enqueue_indirect_dma source(%dma_start3A_184 : memref<10240x32xf32, #tpu.memory_space<vmem_shared>>) target(%arg12 : memref<128x32xf32, #tpu.memory_space<vmem>>) offsets(%dma_start3A_181 : memref<128xi32, #tpu.memory_space<vmem>>) semaphore(%run_scoped3A_179 : memref<!tpu.dma_semaphore, #tpu.memory_space<semaphore_mem>>)
          %dma_wait3A = arith.constant 0 : i32
          %dma_wait3A_185 = tpu.memref_slice %arg7[%run_scoped3A_164, %dma_wait3A] : memref<8x128xi32, #tpu.memory_space<vmem>> -> memref<1x128xi32, #tpu.memory_space<vmem>>
          %dma_wait3A_186 = tpu.memref_squeeze %dma_wait3A_185 : memref<1x128xi32, #tpu.memory_space<vmem>> -> memref<128xi32, #tpu.memory_space<vmem>>
          %dma_wait3A_187 = arith.constant 0 : i32
          %dma_wait3A_188 = arith.constant 0 : i32
          %dma_wait3A_189 = tpu.memref_slice %arg20[%dma_wait3A_187, %dma_wait3A_188] : memref<10240x32xf32, #tpu.memory_space<vmem_shared>> -> memref<10240x32xf32, #tpu.memory_space<vmem_shared>>
          tpu.wait_indirect_dma semaphore(%run_scoped3A_179 : memref<!tpu.dma_semaphore, #tpu.memory_space<semaphore_mem>>) src(%dma_wait3A_189 : memref<10240x32xf32, #tpu.memory_space<vmem_shared>>) dst(%arg12 : memref<128x32xf32, #tpu.memory_space<vmem>>)
          tpu.yield
        }) : () -> ()
        %run_scoped3A_165 = arith.constant 1 : i32
        "tpu.region"() ({
          %run_scoped3A_179 = tpu.sem_alloc : memref<!tpu.dma_semaphore, #tpu.memory_space<semaphore_mem>>
          %dma_start3A = arith.constant 0 : i32
          %dma_start3A_180 = tpu.memref_slice %arg8[%run_scoped3A_165, %dma_start3A] : memref<8x128xi32, #tpu.memory_space<vmem>> -> memref<1x128xi32, #tpu.memory_space<vmem>>
          %dma_start3A_181 = tpu.memref_squeeze %dma_start3A_180 : memref<1x128xi32, #tpu.memory_space<vmem>> -> memref<128xi32, #tpu.memory_space<vmem>>
          %dma_start3A_182 = arith.constant 0 : i32
          %dma_start3A_183 = arith.constant 0 : i32
          %dma_start3A_184 = tpu.memref_slice %arg21[%dma_start3A_182, %dma_start3A_183] : memref<10240x32xf32, #tpu.memory_space<vmem_shared>> -> memref<10240x32xf32, #tpu.memory_space<vmem_shared>>
          tpu.enqueue_indirect_dma source(%arg12 : memref<128x32xf32, #tpu.memory_space<vmem>>) target(%dma_start3A_184 : memref<10240x32xf32, #tpu.memory_space<vmem_shared>>) offsets(%dma_start3A_181 : memref<128xi32, #tpu.memory_space<vmem>>) semaphore(%run_scoped3A_179 : memref<!tpu.dma_semaphore, #tpu.memory_space<semaphore_mem>>) {add = true}
          %dma_wait3A = arith.constant 0 : i32
          %dma_wait3A_185 = tpu.memref_slice %arg8[%run_scoped3A_165, %dma_wait3A] : memref<8x128xi32, #tpu.memory_space<vmem>> -> memref<1x128xi32, #tpu.memory_space<vmem>>
          %dma_wait3A_186 = tpu.memref_squeeze %dma_wait3A_185 : memref<1x128xi32, #tpu.memory_space<vmem>> -> memref<128xi32, #tpu.memory_space<vmem>>
          %dma_wait3A_187 = arith.constant 0 : i32
          %dma_wait3A_188 = arith.constant 0 : i32
          %dma_wait3A_189 = tpu.memref_slice %arg21[%dma_wait3A_187, %dma_wait3A_188] : memref<10240x32xf32, #tpu.memory_space<vmem_shared>> -> memref<10240x32xf32, #tpu.memory_space<vmem_shared>>
          tpu.wait_indirect_dma semaphore(%run_scoped3A_179 : memref<!tpu.dma_semaphore, #tpu.memory_space<semaphore_mem>>) src(%arg12 : memref<128x32xf32, #tpu.memory_space<vmem>>) dst(%dma_wait3A_189 : memref<10240x32xf32, #tpu.memory_space<vmem_shared>>)
          tpu.yield
        }) : () -> ()
        %run_scoped3A_166 = arith.constant 2 : i32
        "tpu.region"() ({
          %run_scoped3A_179 = tpu.sem_alloc : memref<!tpu.dma_semaphore, #tpu.memory_space<semaphore_mem>>
          %dma_start3A = arith.constant 0 : i32
          %dma_start3A_180 = tpu.memref_slice %arg7[%run_scoped3A_166, %dma_start3A] : memref<8x128xi32, #tpu.memory_space<vmem>> -> memref<1x128xi32, #tpu.memory_space<vmem>>
          %dma_start3A_181 = tpu.memref_squeeze %dma_start3A_180 : memref<1x128xi32, #tpu.memory_space<vmem>> -> memref<128xi32, #tpu.memory_space<vmem>>
          %dma_start3A_182 = arith.constant 0 : i32
          %dma_start3A_183 = arith.constant 0 : i32
          %dma_start3A_184 = tpu.memref_slice %arg20[%dma_start3A_182, %dma_start3A_183] : memref<10240x32xf32, #tpu.memory_space<vmem_shared>> -> memref<10240x32xf32, #tpu.memory_space<vmem_shared>>
          tpu.enqueue_indirect_dma source(%dma_start3A_184 : memref<10240x32xf32, #tpu.memory_space<vmem_shared>>) target(%arg12 : memref<128x32xf32, #tpu.memory_space<vmem>>) offsets(%dma_start3A_181 : memref<128xi32, #tpu.memory_space<vmem>>) semaphore(%run_scoped3A_179 : memref<!tpu.dma_semaphore, #tpu.memory_space<semaphore_mem>>)
          %dma_wait3A = arith.constant 0 : i32
          %dma_wait3A_185 = tpu.memref_slice %arg7[%run_scoped3A_166, %dma_wait3A] : memref<8x128xi32, #tpu.memory_space<vmem>> -> memref<1x128xi32, #tpu.memory_space<vmem>>
          %dma_wait3A_186 = tpu.memref_squeeze %dma_wait3A_185 : memref<1x128xi32, #tpu.memory_space<vmem>> -> memref<128xi32, #tpu.memory_space<vmem>>
          %dma_wait3A_187 = arith.constant 0 : i32
          %dma_wait3A_188 = arith.constant 0 : i32
          %dma_wait3A_189 = tpu.memref_slice %arg20[%dma_wait3A_187, %dma_wait3A_188] : memref<10240x32xf32, #tpu.memory_space<vmem_shared>> -> memref<10240x32xf32, #tpu.memory_space<vmem_shared>>
          tpu.wait_indirect_dma semaphore(%run_scoped3A_179 : memref<!tpu.dma_semaphore, #tpu.memory_space<semaphore_mem>>) src(%dma_wait3A_189 : memref<10240x32xf32, #tpu.memory_space<vmem_shared>>) dst(%arg12 : memref<128x32xf32, #tpu.memory_space<vmem>>)
          tpu.yield
        }) : () -> ()
        %run_scoped3A_167 = arith.constant 2 : i32
        "tpu.region"() ({
          %run_scoped3A_179 = tpu.sem_alloc : memref<!tpu.dma_semaphore, #tpu.memory_space<semaphore_mem>>
          %dma_start3A = arith.constant 0 : i32
          %dma_start3A_180 = tpu.memref_slice %arg8[%run_scoped3A_167, %dma_start3A] : memref<8x128xi32, #tpu.memory_space<vmem>> -> memref<1x128xi32, #tpu.memory_space<vmem>>
          %dma_start3A_181 = tpu.memref_squeeze %dma_start3A_180 : memref<1x128xi32, #tpu.memory_space<vmem>> -> memref<128xi32, #tpu.memory_space<vmem>>
          %dma_start3A_182 = arith.constant 0 : i32
          %dma_start3A_183 = arith.constant 0 : i32
          %dma_start3A_184 = tpu.memref_slice %arg21[%dma_start3A_182, %dma_start3A_183] : memref<10240x32xf32, #tpu.memory_space<vmem_shared>> -> memref<10240x32xf32, #tpu.memory_space<vmem_shared>>
          tpu.enqueue_indirect_dma source(%arg12 : memref<128x32xf32, #tpu.memory_space<vmem>>) target(%dma_start3A_184 : memref<10240x32xf32, #tpu.memory_space<vmem_shared>>) offsets(%dma_start3A_181 : memref<128xi32, #tpu.memory_space<vmem>>) semaphore(%run_scoped3A_179 : memref<!tpu.dma_semaphore, #tpu.memory_space<semaphore_mem>>) {add = true}
          %dma_wait3A = arith.constant 0 : i32
          %dma_wait3A_185 = tpu.memref_slice %arg8[%run_scoped3A_167, %dma_wait3A] : memref<8x128xi32, #tpu.memory_space<vmem>> -> memref<1x128xi32, #tpu.memory_space<vmem>>
          %dma_wait3A_186 = tpu.memref_squeeze %dma_wait3A_185 : memref<1x128xi32, #tpu.memory_space<vmem>> -> memref<128xi32, #tpu.memory_space<vmem>>
          %dma_wait3A_187 = arith.constant 0 : i32
          %dma_wait3A_188 = arith.constant 0 : i32
          %dma_wait3A_189 = tpu.memref_slice %arg21[%dma_wait3A_187, %dma_wait3A_188] : memref<10240x32xf32, #tpu.memory_space<vmem_shared>> -> memref<10240x32xf32, #tpu.memory_space<vmem_shared>>
          tpu.wait_indirect_dma semaphore(%run_scoped3A_179 : memref<!tpu.dma_semaphore, #tpu.memory_space<semaphore_mem>>) src(%arg12 : memref<128x32xf32, #tpu.memory_space<vmem>>) dst(%dma_wait3A_189 : memref<10240x32xf32, #tpu.memory_space<vmem_shared>>)
          tpu.yield
        }) : () -> ()
        %run_scoped3A_168 = arith.constant 3 : i32
        "tpu.region"() ({
          %run_scoped3A_179 = tpu.sem_alloc : memref<!tpu.dma_semaphore, #tpu.memory_space<semaphore_mem>>
          %dma_start3A = arith.constant 0 : i32
          %dma_start3A_180 = tpu.memref_slice %arg7[%run_scoped3A_168, %dma_start3A] : memref<8x128xi32, #tpu.memory_space<vmem>> -> memref<1x128xi32, #tpu.memory_space<vmem>>
          %dma_start3A_181 = tpu.memref_squeeze %dma_start3A_180 : memref<1x128xi32, #tpu.memory_space<vmem>> -> memref<128xi32, #tpu.memory_space<vmem>>
          %dma_start3A_182 = arith.constant 0 : i32
          %dma_start3A_183 = arith.constant 0 : i32
          %dma_start3A_184 = tpu.memref_slice %arg20[%dma_start3A_182, %dma_start3A_183] : memref<10240x32xf32, #tpu.memory_space<vmem_shared>> -> memref<10240x32xf32, #tpu.memory_space<vmem_shared>>
          tpu.enqueue_indirect_dma source(%dma_start3A_184 : memref<10240x32xf32, #tpu.memory_space<vmem_shared>>) target(%arg12 : memref<128x32xf32, #tpu.memory_space<vmem>>) offsets(%dma_start3A_181 : memref<128xi32, #tpu.memory_space<vmem>>) semaphore(%run_scoped3A_179 : memref<!tpu.dma_semaphore, #tpu.memory_space<semaphore_mem>>)
          %dma_wait3A = arith.constant 0 : i32
          %dma_wait3A_185 = tpu.memref_slice %arg7[%run_scoped3A_168, %dma_wait3A] : memref<8x128xi32, #tpu.memory_space<vmem>> -> memref<1x128xi32, #tpu.memory_space<vmem>>
          %dma_wait3A_186 = tpu.memref_squeeze %dma_wait3A_185 : memref<1x128xi32, #tpu.memory_space<vmem>> -> memref<128xi32, #tpu.memory_space<vmem>>
          %dma_wait3A_187 = arith.constant 0 : i32
          %dma_wait3A_188 = arith.constant 0 : i32
          %dma_wait3A_189 = tpu.memref_slice %arg20[%dma_wait3A_187, %dma_wait3A_188] : memref<10240x32xf32, #tpu.memory_space<vmem_shared>> -> memref<10240x32xf32, #tpu.memory_space<vmem_shared>>
          tpu.wait_indirect_dma semaphore(%run_scoped3A_179 : memref<!tpu.dma_semaphore, #tpu.memory_space<semaphore_mem>>) src(%dma_wait3A_189 : memref<10240x32xf32, #tpu.memory_space<vmem_shared>>) dst(%arg12 : memref<128x32xf32, #tpu.memory_space<vmem>>)
          tpu.yield
        }) : () -> ()
        %run_scoped3A_169 = arith.constant 3 : i32
        "tpu.region"() ({
          %run_scoped3A_179 = tpu.sem_alloc : memref<!tpu.dma_semaphore, #tpu.memory_space<semaphore_mem>>
          %dma_start3A = arith.constant 0 : i32
          %dma_start3A_180 = tpu.memref_slice %arg8[%run_scoped3A_169, %dma_start3A] : memref<8x128xi32, #tpu.memory_space<vmem>> -> memref<1x128xi32, #tpu.memory_space<vmem>>
          %dma_start3A_181 = tpu.memref_squeeze %dma_start3A_180 : memref<1x128xi32, #tpu.memory_space<vmem>> -> memref<128xi32, #tpu.memory_space<vmem>>
          %dma_start3A_182 = arith.constant 0 : i32
          %dma_start3A_183 = arith.constant 0 : i32
          %dma_start3A_184 = tpu.memref_slice %arg21[%dma_start3A_182, %dma_start3A_183] : memref<10240x32xf32, #tpu.memory_space<vmem_shared>> -> memref<10240x32xf32, #tpu.memory_space<vmem_shared>>
          tpu.enqueue_indirect_dma source(%arg12 : memref<128x32xf32, #tpu.memory_space<vmem>>) target(%dma_start3A_184 : memref<10240x32xf32, #tpu.memory_space<vmem_shared>>) offsets(%dma_start3A_181 : memref<128xi32, #tpu.memory_space<vmem>>) semaphore(%run_scoped3A_179 : memref<!tpu.dma_semaphore, #tpu.memory_space<semaphore_mem>>) {add = true}
          %dma_wait3A = arith.constant 0 : i32
          %dma_wait3A_185 = tpu.memref_slice %arg8[%run_scoped3A_169, %dma_wait3A] : memref<8x128xi32, #tpu.memory_space<vmem>> -> memref<1x128xi32, #tpu.memory_space<vmem>>
          %dma_wait3A_186 = tpu.memref_squeeze %dma_wait3A_185 : memref<1x128xi32, #tpu.memory_space<vmem>> -> memref<128xi32, #tpu.memory_space<vmem>>
          %dma_wait3A_187 = arith.constant 0 : i32
          %dma_wait3A_188 = arith.constant 0 : i32
          %dma_wait3A_189 = tpu.memref_slice %arg21[%dma_wait3A_187, %dma_wait3A_188] : memref<10240x32xf32, #tpu.memory_space<vmem_shared>> -> memref<10240x32xf32, #tpu.memory_space<vmem_shared>>
          tpu.wait_indirect_dma semaphore(%run_scoped3A_179 : memref<!tpu.dma_semaphore, #tpu.memory_space<semaphore_mem>>) src(%arg12 : memref<128x32xf32, #tpu.memory_space<vmem>>) dst(%dma_wait3A_189 : memref<10240x32xf32, #tpu.memory_space<vmem_shared>>)
          tpu.yield
        }) : () -> ()
        %run_scoped3A_170 = arith.constant 4 : i32
        "tpu.region"() ({
          %run_scoped3A_179 = tpu.sem_alloc : memref<!tpu.dma_semaphore, #tpu.memory_space<semaphore_mem>>
          %dma_start3A = arith.constant 0 : i32
          %dma_start3A_180 = tpu.memref_slice %arg7[%run_scoped3A_170, %dma_start3A] : memref<8x128xi32, #tpu.memory_space<vmem>> -> memref<1x128xi32, #tpu.memory_space<vmem>>
          %dma_start3A_181 = tpu.memref_squeeze %dma_start3A_180 : memref<1x128xi32, #tpu.memory_space<vmem>> -> memref<128xi32, #tpu.memory_space<vmem>>
          %dma_start3A_182 = arith.constant 0 : i32
          %dma_start3A_183 = arith.constant 0 : i32
          %dma_start3A_184 = tpu.memref_slice %arg20[%dma_start3A_182, %dma_start3A_183] : memref<10240x32xf32, #tpu.memory_space<vmem_shared>> -> memref<10240x32xf32, #tpu.memory_space<vmem_shared>>
          tpu.enqueue_indirect_dma source(%dma_start3A_184 : memref<10240x32xf32, #tpu.memory_space<vmem_shared>>) target(%arg12 : memref<128x32xf32, #tpu.memory_space<vmem>>) offsets(%dma_start3A_181 : memref<128xi32, #tpu.memory_space<vmem>>) semaphore(%run_scoped3A_179 : memref<!tpu.dma_semaphore, #tpu.memory_space<semaphore_mem>>)
          %dma_wait3A = arith.constant 0 : i32
          %dma_wait3A_185 = tpu.memref_slice %arg7[%run_scoped3A_170, %dma_wait3A] : memref<8x128xi32, #tpu.memory_space<vmem>> -> memref<1x128xi32, #tpu.memory_space<vmem>>
          %dma_wait3A_186 = tpu.memref_squeeze %dma_wait3A_185 : memref<1x128xi32, #tpu.memory_space<vmem>> -> memref<128xi32, #tpu.memory_space<vmem>>
          %dma_wait3A_187 = arith.constant 0 : i32
          %dma_wait3A_188 = arith.constant 0 : i32
          %dma_wait3A_189 = tpu.memref_slice %arg20[%dma_wait3A_187, %dma_wait3A_188] : memref<10240x32xf32, #tpu.memory_space<vmem_shared>> -> memref<10240x32xf32, #tpu.memory_space<vmem_shared>>
          tpu.wait_indirect_dma semaphore(%run_scoped3A_179 : memref<!tpu.dma_semaphore, #tpu.memory_space<semaphore_mem>>) src(%dma_wait3A_189 : memref<10240x32xf32, #tpu.memory_space<vmem_shared>>) dst(%arg12 : memref<128x32xf32, #tpu.memory_space<vmem>>)
          tpu.yield
        }) : () -> ()
        %run_scoped3A_171 = arith.constant 4 : i32
        "tpu.region"() ({
          %run_scoped3A_179 = tpu.sem_alloc : memref<!tpu.dma_semaphore, #tpu.memory_space<semaphore_mem>>
          %dma_start3A = arith.constant 0 : i32
          %dma_start3A_180 = tpu.memref_slice %arg8[%run_scoped3A_171, %dma_start3A] : memref<8x128xi32, #tpu.memory_space<vmem>> -> memref<1x128xi32, #tpu.memory_space<vmem>>
          %dma_start3A_181 = tpu.memref_squeeze %dma_start3A_180 : memref<1x128xi32, #tpu.memory_space<vmem>> -> memref<128xi32, #tpu.memory_space<vmem>>
          %dma_start3A_182 = arith.constant 0 : i32
          %dma_start3A_183 = arith.constant 0 : i32
          %dma_start3A_184 = tpu.memref_slice %arg21[%dma_start3A_182, %dma_start3A_183] : memref<10240x32xf32, #tpu.memory_space<vmem_shared>> -> memref<10240x32xf32, #tpu.memory_space<vmem_shared>>
          tpu.enqueue_indirect_dma source(%arg12 : memref<128x32xf32, #tpu.memory_space<vmem>>) target(%dma_start3A_184 : memref<10240x32xf32, #tpu.memory_space<vmem_shared>>) offsets(%dma_start3A_181 : memref<128xi32, #tpu.memory_space<vmem>>) semaphore(%run_scoped3A_179 : memref<!tpu.dma_semaphore, #tpu.memory_space<semaphore_mem>>) {add = true}
          %dma_wait3A = arith.constant 0 : i32
          %dma_wait3A_185 = tpu.memref_slice %arg8[%run_scoped3A_171, %dma_wait3A] : memref<8x128xi32, #tpu.memory_space<vmem>> -> memref<1x128xi32, #tpu.memory_space<vmem>>
          %dma_wait3A_186 = tpu.memref_squeeze %dma_wait3A_185 : memref<1x128xi32, #tpu.memory_space<vmem>> -> memref<128xi32, #tpu.memory_space<vmem>>
          %dma_wait3A_187 = arith.constant 0 : i32
          %dma_wait3A_188 = arith.constant 0 : i32
          %dma_wait3A_189 = tpu.memref_slice %arg21[%dma_wait3A_187, %dma_wait3A_188] : memref<10240x32xf32, #tpu.memory_space<vmem_shared>> -> memref<10240x32xf32, #tpu.memory_space<vmem_shared>>
          tpu.wait_indirect_dma semaphore(%run_scoped3A_179 : memref<!tpu.dma_semaphore, #tpu.memory_space<semaphore_mem>>) src(%arg12 : memref<128x32xf32, #tpu.memory_space<vmem>>) dst(%dma_wait3A_189 : memref<10240x32xf32, #tpu.memory_space<vmem_shared>>)
          tpu.yield
        }) : () -> ()
        %run_scoped3A_172 = arith.constant 5 : i32
        "tpu.region"() ({
          %run_scoped3A_179 = tpu.sem_alloc : memref<!tpu.dma_semaphore, #tpu.memory_space<semaphore_mem>>
          %dma_start3A = arith.constant 0 : i32
          %dma_start3A_180 = tpu.memref_slice %arg7[%run_scoped3A_172, %dma_start3A] : memref<8x128xi32, #tpu.memory_space<vmem>> -> memref<1x128xi32, #tpu.memory_space<vmem>>
          %dma_start3A_181 = tpu.memref_squeeze %dma_start3A_180 : memref<1x128xi32, #tpu.memory_space<vmem>> -> memref<128xi32, #tpu.memory_space<vmem>>
          %dma_start3A_182 = arith.constant 0 : i32
          %dma_start3A_183 = arith.constant 0 : i32
          %dma_start3A_184 = tpu.memref_slice %arg20[%dma_start3A_182, %dma_start3A_183] : memref<10240x32xf32, #tpu.memory_space<vmem_shared>> -> memref<10240x32xf32, #tpu.memory_space<vmem_shared>>
          tpu.enqueue_indirect_dma source(%dma_start3A_184 : memref<10240x32xf32, #tpu.memory_space<vmem_shared>>) target(%arg12 : memref<128x32xf32, #tpu.memory_space<vmem>>) offsets(%dma_start3A_181 : memref<128xi32, #tpu.memory_space<vmem>>) semaphore(%run_scoped3A_179 : memref<!tpu.dma_semaphore, #tpu.memory_space<semaphore_mem>>)
          %dma_wait3A = arith.constant 0 : i32
          %dma_wait3A_185 = tpu.memref_slice %arg7[%run_scoped3A_172, %dma_wait3A] : memref<8x128xi32, #tpu.memory_space<vmem>> -> memref<1x128xi32, #tpu.memory_space<vmem>>
          %dma_wait3A_186 = tpu.memref_squeeze %dma_wait3A_185 : memref<1x128xi32, #tpu.memory_space<vmem>> -> memref<128xi32, #tpu.memory_space<vmem>>
          %dma_wait3A_187 = arith.constant 0 : i32
          %dma_wait3A_188 = arith.constant 0 : i32
          %dma_wait3A_189 = tpu.memref_slice %arg20[%dma_wait3A_187, %dma_wait3A_188] : memref<10240x32xf32, #tpu.memory_space<vmem_shared>> -> memref<10240x32xf32, #tpu.memory_space<vmem_shared>>
          tpu.wait_indirect_dma semaphore(%run_scoped3A_179 : memref<!tpu.dma_semaphore, #tpu.memory_space<semaphore_mem>>) src(%dma_wait3A_189 : memref<10240x32xf32, #tpu.memory_space<vmem_shared>>) dst(%arg12 : memref<128x32xf32, #tpu.memory_space<vmem>>)
          tpu.yield
        }) : () -> ()
        %run_scoped3A_173 = arith.constant 5 : i32
        "tpu.region"() ({
          %run_scoped3A_179 = tpu.sem_alloc : memref<!tpu.dma_semaphore, #tpu.memory_space<semaphore_mem>>
          %dma_start3A = arith.constant 0 : i32
          %dma_start3A_180 = tpu.memref_slice %arg8[%run_scoped3A_173, %dma_start3A] : memref<8x128xi32, #tpu.memory_space<vmem>> -> memref<1x128xi32, #tpu.memory_space<vmem>>
          %dma_start3A_181 = tpu.memref_squeeze %dma_start3A_180 : memref<1x128xi32, #tpu.memory_space<vmem>> -> memref<128xi32, #tpu.memory_space<vmem>>
          %dma_start3A_182 = arith.constant 0 : i32
          %dma_start3A_183 = arith.constant 0 : i32
          %dma_start3A_184 = tpu.memref_slice %arg21[%dma_start3A_182, %dma_start3A_183] : memref<10240x32xf32, #tpu.memory_space<vmem_shared>> -> memref<10240x32xf32, #tpu.memory_space<vmem_shared>>
          tpu.enqueue_indirect_dma source(%arg12 : memref<128x32xf32, #tpu.memory_space<vmem>>) target(%dma_start3A_184 : memref<10240x32xf32, #tpu.memory_space<vmem_shared>>) offsets(%dma_start3A_181 : memref<128xi32, #tpu.memory_space<vmem>>) semaphore(%run_scoped3A_179 : memref<!tpu.dma_semaphore, #tpu.memory_space<semaphore_mem>>) {add = true}
          %dma_wait3A = arith.constant 0 : i32
          %dma_wait3A_185 = tpu.memref_slice %arg8[%run_scoped3A_173, %dma_wait3A] : memref<8x128xi32, #tpu.memory_space<vmem>> -> memref<1x128xi32, #tpu.memory_space<vmem>>
          %dma_wait3A_186 = tpu.memref_squeeze %dma_wait3A_185 : memref<1x128xi32, #tpu.memory_space<vmem>> -> memref<128xi32, #tpu.memory_space<vmem>>
          %dma_wait3A_187 = arith.constant 0 : i32
          %dma_wait3A_188 = arith.constant 0 : i32
          %dma_wait3A_189 = tpu.memref_slice %arg21[%dma_wait3A_187, %dma_wait3A_188] : memref<10240x32xf32, #tpu.memory_space<vmem_shared>> -> memref<10240x32xf32, #tpu.memory_space<vmem_shared>>
          tpu.wait_indirect_dma semaphore(%run_scoped3A_179 : memref<!tpu.dma_semaphore, #tpu.memory_space<semaphore_mem>>) src(%arg12 : memref<128x32xf32, #tpu.memory_space<vmem>>) dst(%dma_wait3A_189 : memref<10240x32xf32, #tpu.memory_space<vmem_shared>>)
          tpu.yield
        }) : () -> ()
        %run_scoped3A_174 = arith.constant 6 : i32
        "tpu.region"() ({
          %run_scoped3A_179 = tpu.sem_alloc : memref<!tpu.dma_semaphore, #tpu.memory_space<semaphore_mem>>
          %dma_start3A = arith.constant 0 : i32
          %dma_start3A_180 = tpu.memref_slice %arg7[%run_scoped3A_174, %dma_start3A] : memref<8x128xi32, #tpu.memory_space<vmem>> -> memref<1x128xi32, #tpu.memory_space<vmem>>
          %dma_start3A_181 = tpu.memref_squeeze %dma_start3A_180 : memref<1x128xi32, #tpu.memory_space<vmem>> -> memref<128xi32, #tpu.memory_space<vmem>>
          %dma_start3A_182 = arith.constant 0 : i32
          %dma_start3A_183 = arith.constant 0 : i32
          %dma_start3A_184 = tpu.memref_slice %arg20[%dma_start3A_182, %dma_start3A_183] : memref<10240x32xf32, #tpu.memory_space<vmem_shared>> -> memref<10240x32xf32, #tpu.memory_space<vmem_shared>>
          tpu.enqueue_indirect_dma source(%dma_start3A_184 : memref<10240x32xf32, #tpu.memory_space<vmem_shared>>) target(%arg12 : memref<128x32xf32, #tpu.memory_space<vmem>>) offsets(%dma_start3A_181 : memref<128xi32, #tpu.memory_space<vmem>>) semaphore(%run_scoped3A_179 : memref<!tpu.dma_semaphore, #tpu.memory_space<semaphore_mem>>)
          %dma_wait3A = arith.constant 0 : i32
          %dma_wait3A_185 = tpu.memref_slice %arg7[%run_scoped3A_174, %dma_wait3A] : memref<8x128xi32, #tpu.memory_space<vmem>> -> memref<1x128xi32, #tpu.memory_space<vmem>>
          %dma_wait3A_186 = tpu.memref_squeeze %dma_wait3A_185 : memref<1x128xi32, #tpu.memory_space<vmem>> -> memref<128xi32, #tpu.memory_space<vmem>>
          %dma_wait3A_187 = arith.constant 0 : i32
          %dma_wait3A_188 = arith.constant 0 : i32
          %dma_wait3A_189 = tpu.memref_slice %arg20[%dma_wait3A_187, %dma_wait3A_188] : memref<10240x32xf32, #tpu.memory_space<vmem_shared>> -> memref<10240x32xf32, #tpu.memory_space<vmem_shared>>
          tpu.wait_indirect_dma semaphore(%run_scoped3A_179 : memref<!tpu.dma_semaphore, #tpu.memory_space<semaphore_mem>>) src(%dma_wait3A_189 : memref<10240x32xf32, #tpu.memory_space<vmem_shared>>) dst(%arg12 : memref<128x32xf32, #tpu.memory_space<vmem>>)
          tpu.yield
        }) : () -> ()
        %run_scoped3A_175 = arith.constant 6 : i32
        "tpu.region"() ({
          %run_scoped3A_179 = tpu.sem_alloc : memref<!tpu.dma_semaphore, #tpu.memory_space<semaphore_mem>>
          %dma_start3A = arith.constant 0 : i32
          %dma_start3A_180 = tpu.memref_slice %arg8[%run_scoped3A_175, %dma_start3A] : memref<8x128xi32, #tpu.memory_space<vmem>> -> memref<1x128xi32, #tpu.memory_space<vmem>>
          %dma_start3A_181 = tpu.memref_squeeze %dma_start3A_180 : memref<1x128xi32, #tpu.memory_space<vmem>> -> memref<128xi32, #tpu.memory_space<vmem>>
          %dma_start3A_182 = arith.constant 0 : i32
          %dma_start3A_183 = arith.constant 0 : i32
          %dma_start3A_184 = tpu.memref_slice %arg21[%dma_start3A_182, %dma_start3A_183] : memref<10240x32xf32, #tpu.memory_space<vmem_shared>> -> memref<10240x32xf32, #tpu.memory_space<vmem_shared>>
          tpu.enqueue_indirect_dma source(%arg12 : memref<128x32xf32, #tpu.memory_space<vmem>>) target(%dma_start3A_184 : memref<10240x32xf32, #tpu.memory_space<vmem_shared>>) offsets(%dma_start3A_181 : memref<128xi32, #tpu.memory_space<vmem>>) semaphore(%run_scoped3A_179 : memref<!tpu.dma_semaphore, #tpu.memory_space<semaphore_mem>>) {add = true}
          %dma_wait3A = arith.constant 0 : i32
          %dma_wait3A_185 = tpu.memref_slice %arg8[%run_scoped3A_175, %dma_wait3A] : memref<8x128xi32, #tpu.memory_space<vmem>> -> memref<1x128xi32, #tpu.memory_space<vmem>>
          %dma_wait3A_186 = tpu.memref_squeeze %dma_wait3A_185 : memref<1x128xi32, #tpu.memory_space<vmem>> -> memref<128xi32, #tpu.memory_space<vmem>>
          %dma_wait3A_187 = arith.constant 0 : i32
          %dma_wait3A_188 = arith.constant 0 : i32
          %dma_wait3A_189 = tpu.memref_slice %arg21[%dma_wait3A_187, %dma_wait3A_188] : memref<10240x32xf32, #tpu.memory_space<vmem_shared>> -> memref<10240x32xf32, #tpu.memory_space<vmem_shared>>
          tpu.wait_indirect_dma semaphore(%run_scoped3A_179 : memref<!tpu.dma_semaphore, #tpu.memory_space<semaphore_mem>>) src(%arg12 : memref<128x32xf32, #tpu.memory_space<vmem>>) dst(%dma_wait3A_189 : memref<10240x32xf32, #tpu.memory_space<vmem_shared>>)
          tpu.yield
        }) : () -> ()
        %run_scoped3A_176 = arith.constant 7 : i32
        "tpu.region"() ({
          %run_scoped3A_179 = tpu.sem_alloc : memref<!tpu.dma_semaphore, #tpu.memory_space<semaphore_mem>>
          %dma_start3A = arith.constant 0 : i32
          %dma_start3A_180 = tpu.memref_slice %arg7[%run_scoped3A_176, %dma_start3A] : memref<8x128xi32, #tpu.memory_space<vmem>> -> memref<1x128xi32, #tpu.memory_space<vmem>>
          %dma_start3A_181 = tpu.memref_squeeze %dma_start3A_180 : memref<1x128xi32, #tpu.memory_space<vmem>> -> memref<128xi32, #tpu.memory_space<vmem>>
          %dma_start3A_182 = arith.constant 0 : i32
          %dma_start3A_183 = arith.constant 0 : i32
          %dma_start3A_184 = tpu.memref_slice %arg20[%dma_start3A_182, %dma_start3A_183] : memref<10240x32xf32, #tpu.memory_space<vmem_shared>> -> memref<10240x32xf32, #tpu.memory_space<vmem_shared>>
          tpu.enqueue_indirect_dma source(%dma_start3A_184 : memref<10240x32xf32, #tpu.memory_space<vmem_shared>>) target(%arg12 : memref<128x32xf32, #tpu.memory_space<vmem>>) offsets(%dma_start3A_181 : memref<128xi32, #tpu.memory_space<vmem>>) semaphore(%run_scoped3A_179 : memref<!tpu.dma_semaphore, #tpu.memory_space<semaphore_mem>>)
          %dma_wait3A = arith.constant 0 : i32
          %dma_wait3A_185 = tpu.memref_slice %arg7[%run_scoped3A_176, %dma_wait3A] : memref<8x128xi32, #tpu.memory_space<vmem>> -> memref<1x128xi32, #tpu.memory_space<vmem>>
          %dma_wait3A_186 = tpu.memref_squeeze %dma_wait3A_185 : memref<1x128xi32, #tpu.memory_space<vmem>> -> memref<128xi32, #tpu.memory_space<vmem>>
          %dma_wait3A_187 = arith.constant 0 : i32
          %dma_wait3A_188 = arith.constant 0 : i32
          %dma_wait3A_189 = tpu.memref_slice %arg20[%dma_wait3A_187, %dma_wait3A_188] : memref<10240x32xf32, #tpu.memory_space<vmem_shared>> -> memref<10240x32xf32, #tpu.memory_space<vmem_shared>>
          tpu.wait_indirect_dma semaphore(%run_scoped3A_179 : memref<!tpu.dma_semaphore, #tpu.memory_space<semaphore_mem>>) src(%dma_wait3A_189 : memref<10240x32xf32, #tpu.memory_space<vmem_shared>>) dst(%arg12 : memref<128x32xf32, #tpu.memory_space<vmem>>)
          tpu.yield
        }) : () -> ()
        %run_scoped3A_177 = arith.constant 7 : i32
        "tpu.region"() ({
          %run_scoped3A_179 = tpu.sem_alloc : memref<!tpu.dma_semaphore, #tpu.memory_space<semaphore_mem>>
          %dma_start3A = arith.constant 0 : i32
          %dma_start3A_180 = tpu.memref_slice %arg8[%run_scoped3A_177, %dma_start3A] : memref<8x128xi32, #tpu.memory_space<vmem>> -> memref<1x128xi32, #tpu.memory_space<vmem>>
          %dma_start3A_181 = tpu.memref_squeeze %dma_start3A_180 : memref<1x128xi32, #tpu.memory_space<vmem>> -> memref<128xi32, #tpu.memory_space<vmem>>
          %dma_start3A_182 = arith.constant 0 : i32
          %dma_start3A_183 = arith.constant 0 : i32
          %dma_start3A_184 = tpu.memref_slice %arg21[%dma_start3A_182, %dma_start3A_183] : memref<10240x32xf32, #tpu.memory_space<vmem_shared>> -> memref<10240x32xf32, #tpu.memory_space<vmem_shared>>
          tpu.enqueue_indirect_dma source(%arg12 : memref<128x32xf32, #tpu.memory_space<vmem>>) target(%dma_start3A_184 : memref<10240x32xf32, #tpu.memory_space<vmem_shared>>) offsets(%dma_start3A_181 : memref<128xi32, #tpu.memory_space<vmem>>) semaphore(%run_scoped3A_179 : memref<!tpu.dma_semaphore, #tpu.memory_space<semaphore_mem>>) {add = true}
          %dma_wait3A = arith.constant 0 : i32
          %dma_wait3A_185 = tpu.memref_slice %arg8[%run_scoped3A_177, %dma_wait3A] : memref<8x128xi32, #tpu.memory_space<vmem>> -> memref<1x128xi32, #tpu.memory_space<vmem>>
          %dma_wait3A_186 = tpu.memref_squeeze %dma_wait3A_185 : memref<1x128xi32, #tpu.memory_space<vmem>> -> memref<128xi32, #tpu.memory_space<vmem>>
          %dma_wait3A_187 = arith.constant 0 : i32
          %dma_wait3A_188 = arith.constant 0 : i32
          %dma_wait3A_189 = tpu.memref_slice %arg21[%dma_wait3A_187, %dma_wait3A_188] : memref<10240x32xf32, #tpu.memory_space<vmem_shared>> -> memref<10240x32xf32, #tpu.memory_space<vmem_shared>>
          tpu.wait_indirect_dma semaphore(%run_scoped3A_179 : memref<!tpu.dma_semaphore, #tpu.memory_space<semaphore_mem>>) src(%arg12 : memref<128x32xf32, #tpu.memory_space<vmem>>) dst(%dma_wait3A_189 : memref<10240x32xf32, #tpu.memory_space<vmem_shared>>)
          tpu.yield
        }) : () -> ()
        %scan3A_178 = arith.constant 0 : i32
        scf.yield %scan3A_178 : i32
      }
      %scan3A_144 = arith.constant 20 : i32
      %barrier3A_145 = arith.constant 0 : index
      tpu.barrier barrier_id(%barrier3A_145)
      "tpu.region"() ({
        %run_scoped3A_155 = tpu.sem_alloc : memref<!tpu.dma_semaphore, #tpu.memory_space<semaphore_mem>>
        %dma_start3A = arith.constant 0 : i32
        %dma_start3A_156 = tpu.memref_slice %arg21[%mul3A_0, %dma_start3A] : memref<10240x32xf32, #tpu.memory_space<vmem_shared>> -> memref<640x32xf32, #tpu.memory_space<vmem_shared>>
        %dma_start3A_157 = arith.constant 0 : i32
        %dma_start3A_158 = tpu.memref_slice %arg21[%mul3A_0, %dma_start3A_157] : memref<10240x32xf32, #tpu.memory_space<vmem_shared>> -> memref<640x32xf32, #tpu.memory_space<vmem_shared>>
        tpu.enqueue_dma source(%dma_start3A_158 : memref<640x32xf32, #tpu.memory_space<vmem_shared>>) target(%arg11 : memref<640x32xf32, #tpu.memory_space<vmem>>) target_semaphore(%run_scoped3A_155 : memref<!tpu.dma_semaphore, #tpu.memory_space<semaphore_mem>>)
        %dma_wait3A = arith.constant 0 : i32
        %dma_wait3A_159 = tpu.memref_slice %arg21[%mul3A_0, %dma_wait3A] : memref<10240x32xf32, #tpu.memory_space<vmem_shared>> -> memref<640x32xf32, #tpu.memory_space<vmem_shared>>
        %dma_wait3A_160 = arith.constant 0 : i32
        %dma_wait3A_161 = tpu.memref_slice %arg21[%mul3A_0, %dma_wait3A_160] : memref<10240x32xf32, #tpu.memory_space<vmem_shared>> -> memref<640x32xf32, #tpu.memory_space<vmem_shared>>
        tpu.wait_dma2 semaphore(%run_scoped3A_155 : memref<!tpu.dma_semaphore, #tpu.memory_space<semaphore_mem>>) src(%dma_wait3A_161 : memref<640x32xf32, #tpu.memory_space<vmem_shared>>) dst(%arg11 : memref<640x32xf32, #tpu.memory_space<vmem>>)
        tpu.yield
      }) : () -> ()
      %scan3A_146 = arith.constant 0 : i32
      %scan3A_147 = arith.constant 0 : i32
      %scan3A_148 = arith.constant 640 : i32
      %scan3A_149 = arith.addi %scan3A_147, %scan3A_148 : i32
      %scan3A_150 = arith.constant 1 : i32
      %scan3A_151 = scf.for %scan3A_155 = %scan3A_147 to %scan3A_149 step %scan3A_150 iter_args(%scan3A_156 = %scan3A_146) -> (i32)  : i32 {
        %broadcast_in_dim3A_157 = vector.broadcast %scan3A_155 : i32 to vector<16xi32>
        %gather3A = tpu.vector_load_idx %arg19[%broadcast_in_dim3A_157] : memref<640xf32, #tpu.memory_space<vmem>>[vector<16xi32>], vector<16xf32>,
        %mul3A_158 = arith.constant 0.899999976 : f32
        %mul3A_159 = vector.broadcast %mul3A_158 : f32 to vector<16xf32>
        %mul3A_160 = arith.mulf %mul3A_159, %gather3A : vector<16xf32>
        %get3A = arith.index_cast %scan3A_155 : i32 to index
        %get3A_161 = arith.constant 0 : index
        %get3A_162 = tpu.vector_load %arg11[%get3A, %get3A_161] {strides = array<i32>} : memref<640x32xf32, #tpu.memory_space<vmem>>, vector<16xf32>,
        %get3A_163 = arith.index_cast %scan3A_155 : i32 to index
        %get3A_164 = arith.constant 0 : index
        %get3A_165 = tpu.vector_load %arg9[%get3A_163, %get3A_164] {strides = array<i32>} : memref<640x32xf32, #tpu.memory_space<vmem>>, vector<16xf32>,
        %add3A_166 = arith.addf %get3A_162, %get3A_165 : vector<16xf32>
        %mul3A_167 = arith.mulf %mul3A_160, %add3A_166 : vector<16xf32>
        %get3A_168 = arith.index_cast %scan3A_155 : i32 to index
        %get3A_169 = arith.constant 0 : index
        %get3A_170 = tpu.vector_load %arg10[%get3A_168, %get3A_169] {strides = array<i32>} : memref<640x32xf32, #tpu.memory_space<vmem>>, vector<16xf32>,
        %add3A_171 = arith.addf %mul3A_167, %get3A_170 : vector<16xf32>
        %swap3A = arith.index_cast %scan3A_155 : i32 to index
        %swap3A_172 = arith.constant 0 : index
        %swap3A_173 = tpu.vector_load %arg9[%swap3A, %swap3A_172] {strides = array<i32>} : memref<640x32xf32, #tpu.memory_space<vmem>>, vector<16xf32>,
        tpu.vector_store %arg9[%swap3A, %swap3A_172], %add3A_171 {strides = array<i32>} : memref<640x32xf32, #tpu.memory_space<vmem>>, vector<16xf32>,
        %swap3A_174 = arith.index_cast %scan3A_155 : i32 to index
        %swap3A_175 = arith.constant 0 : index
        %swap3A_176 = tpu.vector_load %arg11[%swap3A_174, %swap3A_175] {strides = array<i32>} : memref<640x32xf32, #tpu.memory_space<vmem>>, vector<16xf32>,
        tpu.vector_store %arg11[%swap3A_174, %swap3A_175], %broadcast_in_dim3A_1 {strides = array<i32>} : memref<640x32xf32, #tpu.memory_space<vmem>>, vector<16xf32>,
        %mul3A_177 = arith.constant 0.899999976 : f32
        %mul3A_178 = vector.broadcast %mul3A_177 : f32 to vector<16xf32>
        %mul3A_179 = arith.mulf %mul3A_178, %gather3A : vector<16xf32>
        %get3A_180 = arith.index_cast %scan3A_155 : i32 to index
        %get3A_181 = arith.constant 16 : index
        %get3A_182 = tpu.vector_load %arg11[%get3A_180, %get3A_181] {strides = array<i32>} : memref<640x32xf32, #tpu.memory_space<vmem>>, vector<16xf32>,
        %get3A_183 = arith.index_cast %scan3A_155 : i32 to index
        %get3A_184 = arith.constant 16 : index
        %get3A_185 = tpu.vector_load %arg9[%get3A_183, %get3A_184] {strides = array<i32>} : memref<640x32xf32, #tpu.memory_space<vmem>>, vector<16xf32>,
        %add3A_186 = arith.addf %get3A_182, %get3A_185 : vector<16xf32>
        %mul3A_187 = arith.mulf %mul3A_179, %add3A_186 : vector<16xf32>
        %get3A_188 = arith.index_cast %scan3A_155 : i32 to index
        %get3A_189 = arith.constant 16 : index
        %get3A_190 = tpu.vector_load %arg10[%get3A_188, %get3A_189] {strides = array<i32>} : memref<640x32xf32, #tpu.memory_space<vmem>>, vector<16xf32>,
        %add3A_191 = arith.addf %mul3A_187, %get3A_190 : vector<16xf32>
        %swap3A_192 = arith.index_cast %scan3A_155 : i32 to index
        %swap3A_193 = arith.constant 16 : index
        %swap3A_194 = tpu.vector_load %arg9[%swap3A_192, %swap3A_193] {strides = array<i32>} : memref<640x32xf32, #tpu.memory_space<vmem>>, vector<16xf32>,
        tpu.vector_store %arg9[%swap3A_192, %swap3A_193], %add3A_191 {strides = array<i32>} : memref<640x32xf32, #tpu.memory_space<vmem>>, vector<16xf32>,
        %swap3A_195 = arith.index_cast %scan3A_155 : i32 to index
        %swap3A_196 = arith.constant 16 : index
        %swap3A_197 = tpu.vector_load %arg11[%swap3A_195, %swap3A_196] {strides = array<i32>} : memref<640x32xf32, #tpu.memory_space<vmem>>, vector<16xf32>,
        tpu.vector_store %arg11[%swap3A_195, %swap3A_196], %broadcast_in_dim3A_1 {strides = array<i32>} : memref<640x32xf32, #tpu.memory_space<vmem>>, vector<16xf32>,
        %scan3A_198 = arith.constant 0 : i32
        scf.yield %scan3A_198 : i32
      }
      %scan3A_152 = arith.constant 640 : i32
      "tpu.region"() ({
        %run_scoped3A_155 = tpu.sem_alloc : memref<!tpu.dma_semaphore, #tpu.memory_space<semaphore_mem>>
        %dma_start3A = arith.constant 0 : i32
        %dma_start3A_156 = tpu.memref_slice %arg21[%mul3A_0, %dma_start3A] : memref<10240x32xf32, #tpu.memory_space<vmem_shared>> -> memref<640x32xf32, #tpu.memory_space<vmem_shared>>
        %dma_start3A_157 = arith.constant 0 : i32
        %dma_start3A_158 = tpu.memref_slice %arg21[%mul3A_0, %dma_start3A_157] : memref<10240x32xf32, #tpu.memory_space<vmem_shared>> -> memref<640x32xf32, #tpu.memory_space<vmem_shared>>
        tpu.enqueue_dma source(%arg11 : memref<640x32xf32, #tpu.memory_space<vmem>>) target(%dma_start3A_158 : memref<640x32xf32, #tpu.memory_space<vmem_shared>>) target_semaphore(%run_scoped3A_155 : memref<!tpu.dma_semaphore, #tpu.memory_space<semaphore_mem>>)
        %dma_wait3A = arith.constant 0 : i32
        %dma_wait3A_159 = tpu.memref_slice %arg21[%mul3A_0, %dma_wait3A] : memref<10240x32xf32, #tpu.memory_space<vmem_shared>> -> memref<640x32xf32, #tpu.memory_space<vmem_shared>>
        %dma_wait3A_160 = arith.constant 0 : i32
        %dma_wait3A_161 = tpu.memref_slice %arg21[%mul3A_0, %dma_wait3A_160] : memref<10240x32xf32, #tpu.memory_space<vmem_shared>> -> memref<640x32xf32, #tpu.memory_space<vmem_shared>>
        tpu.wait_dma2 semaphore(%run_scoped3A_155 : memref<!tpu.dma_semaphore, #tpu.memory_space<semaphore_mem>>) src(%arg11 : memref<640x32xf32, #tpu.memory_space<vmem>>) dst(%dma_wait3A_161 : memref<640x32xf32, #tpu.memory_space<vmem_shared>>)
        tpu.yield
      }) : () -> ()
      "tpu.region"() ({
        %run_scoped3A_155 = tpu.sem_alloc : memref<!tpu.dma_semaphore, #tpu.memory_space<semaphore_mem>>
        %dma_start3A = arith.constant 0 : i32
        %dma_start3A_156 = tpu.memref_slice %arg20[%mul3A_0, %dma_start3A] : memref<10240x32xf32, #tpu.memory_space<vmem_shared>> -> memref<640x32xf32, #tpu.memory_space<vmem_shared>>
        %dma_start3A_157 = arith.constant 0 : i32
        %dma_start3A_158 = tpu.memref_slice %arg20[%mul3A_0, %dma_start3A_157] : memref<10240x32xf32, #tpu.memory_space<vmem_shared>> -> memref<640x32xf32, #tpu.memory_space<vmem_shared>>
        tpu.enqueue_dma source(%arg9 : memref<640x32xf32, #tpu.memory_space<vmem>>) target(%dma_start3A_158 : memref<640x32xf32, #tpu.memory_space<vmem_shared>>) target_semaphore(%run_scoped3A_155 : memref<!tpu.dma_semaphore, #tpu.memory_space<semaphore_mem>>)
        %dma_wait3A = arith.constant 0 : i32
        %dma_wait3A_159 = tpu.memref_slice %arg20[%mul3A_0, %dma_wait3A] : memref<10240x32xf32, #tpu.memory_space<vmem_shared>> -> memref<640x32xf32, #tpu.memory_space<vmem_shared>>
        %dma_wait3A_160 = arith.constant 0 : i32
        %dma_wait3A_161 = tpu.memref_slice %arg20[%mul3A_0, %dma_wait3A_160] : memref<10240x32xf32, #tpu.memory_space<vmem_shared>> -> memref<640x32xf32, #tpu.memory_space<vmem_shared>>
        tpu.wait_dma2 semaphore(%run_scoped3A_155 : memref<!tpu.dma_semaphore, #tpu.memory_space<semaphore_mem>>) src(%arg9 : memref<640x32xf32, #tpu.memory_space<vmem>>) dst(%dma_wait3A_161 : memref<640x32xf32, #tpu.memory_space<vmem_shared>>)
        tpu.yield
      }) : () -> ()
      %barrier3A_153 = arith.constant 0 : index
      tpu.barrier barrier_id(%barrier3A_153)
      %scan3A_154 = arith.constant 0 : i32
      scf.yield %scan3A_154 : i32
    }
    %scan3A_135 = arith.constant 10 : i32
    "tpu.region"() ({
      %run_scoped3A_136 = tpu.sem_alloc : memref<!tpu.dma_semaphore, #tpu.memory_space<semaphore_mem>>
      %dma_start3A = arith.constant 0 : i32
      %dma_start3A_137 = tpu.memref_slice %arg5[%arg0, %mul3A_0, %dma_start3A] : memref<2x10240x32xf32, #tpu.memory_space<hbm>> -> memref<1x640x32xf32, #tpu.memory_space<hbm>>
      %dma_start3A_138 = tpu.memref_squeeze %dma_start3A_137 : memref<1x640x32xf32, #tpu.memory_space<hbm>> -> memref<640x32xf32, #tpu.memory_space<hbm>>
      %dma_start3A_139 = arith.constant 0 : i32
      %dma_start3A_140 = tpu.memref_slice %arg5[%arg0, %mul3A_0, %dma_start3A_139] : memref<2x10240x32xf32, #tpu.memory_space<hbm>> -> memref<1x640x32xf32, #tpu.memory_space<hbm>>
      %dma_start3A_141 = tpu.memref_squeeze %dma_start3A_140 : memref<1x640x32xf32, #tpu.memory_space<hbm>> -> memref<640x32xf32, #tpu.memory_space<hbm>>
      tpu.enqueue_dma source(%arg9 : memref<640x32xf32, #tpu.memory_space<vmem>>) target(%dma_start3A_141 : memref<640x32xf32, #tpu.memory_space<hbm>>) target_semaphore(%run_scoped3A_136 : memref<!tpu.dma_semaphore, #tpu.memory_space<semaphore_mem>>)
      %dma_wait3A = arith.constant 0 : i32
      %dma_wait3A_142 = tpu.memref_slice %arg5[%arg0, %mul3A_0, %dma_wait3A] : memref<2x10240x32xf32, #tpu.memory_space<hbm>> -> memref<1x640x32xf32, #tpu.memory_space<hbm>>
      %dma_wait3A_143 = tpu.memref_squeeze %dma_wait3A_142 : memref<1x640x32xf32, #tpu.memory_space<hbm>> -> memref<640x32xf32, #tpu.memory_space<hbm>>
      %dma_wait3A_144 = arith.constant 0 : i32
      %dma_wait3A_145 = tpu.memref_slice %arg5[%arg0, %mul3A_0, %dma_wait3A_144] : memref<2x10240x32xf32, #tpu.memory_space<hbm>> -> memref<1x640x32xf32, #tpu.memory_space<hbm>>
      %dma_wait3A_146 = tpu.memref_squeeze %dma_wait3A_145 : memref<1x640x32xf32, #tpu.memory_space<hbm>> -> memref<640x32xf32, #tpu.memory_space<hbm>>
      tpu.wait_dma2 semaphore(%run_scoped3A_136 : memref<!tpu.dma_semaphore, #tpu.memory_space<semaphore_mem>>) src(%arg9 : memref<640x32xf32, #tpu.memory_space<vmem>>) dst(%dma_wait3A_146 : memref<640x32xf32, #tpu.memory_space<hbm>>)
      tpu.yield
    }) : () -> ()
    return
  }
}

module attributes {stable_mosaic.version = 14 : i64} {
  func.func @_mlp_body(%arg0: i32, %arg1: memref<640x128xf32, #tpu.memory_space<vmem>>, %arg2: memref<128x64xf32, #tpu.memory_space<vmem>>, %arg3: memref<1x64xf32, #tpu.memory_space<vmem>>, %arg4: memref<64x64xf32, #tpu.memory_space<vmem>>, %arg5: memref<1x64xf32, #tpu.memory_space<vmem>>, %arg6: memref<640x64xf32, #tpu.memory_space<vmem>>) attributes {dimension_semantics = [#tpu.dimension_semantics<arbitrary>], iteration_bounds = array<i64: 16>, scalar_prefetch = 0 : i64, scratch_operands = 0 : i64, tpu.core_type = #tpu.core_type<tc>, window_params = [{transform_indices = @transform_0, window_bounds = array<i64: 640, 128>}, {pipeline_mode = #tpu.pipeline_mode<synchronous>, transform_indices = @transform_1, window_bounds = array<i64: 128, 64>}, {pipeline_mode = #tpu.pipeline_mode<synchronous>, transform_indices = @transform_2, window_bounds = array<i64: 1, 64>}, {pipeline_mode = #tpu.pipeline_mode<synchronous>, transform_indices = @transform_3, window_bounds = array<i64: 64, 64>}, {pipeline_mode = #tpu.pipeline_mode<synchronous>, transform_indices = @transform_4, window_bounds = array<i64: 1, 64>}, {transform_indices = @transform_5, window_bounds = array<i64: 640, 64>}]} {
    %get3A = arith.constant 0 : index
    %get3A_0 = arith.constant 0 : index
    %get3A_1 = vector.load %arg1[%get3A, %get3A_0] : memref<640x128xf32, #tpu.memory_space<vmem>>, vector<640x128xf32>
    %get3A_2 = arith.constant 0 : index
    %get3A_3 = arith.constant 0 : index
    %get3A_4 = vector.load %arg2[%get3A_2, %get3A_3] : memref<128x64xf32, #tpu.memory_space<vmem>>, vector<128x64xf32>
    %dot_general3A = arith.constant dense<0.000000e+00> : vector<640x64xf32>
    %dot_general3A_5 = tpu.matmul %get3A_1, %get3A_4, %dot_general3A {dimension_numbers = #tpu.dot_dimension_numbers<[1], [0], [0], [1], [0, 0, 1, 1], [], []>, transpose_lhs_hint = false} : vector<640x128xf32>, vector<128x64xf32>, vector<640x64xf32> -> vector<640x64xf32>
    %get3A_6 = arith.constant 0 : index
    %get3A_7 = arith.constant 0 : index
    %get3A_8 = vector.load %arg3[%get3A_6, %get3A_7] : memref<1x64xf32, #tpu.memory_space<vmem>>, vector<1x64xf32>
    %add3A = vector.broadcast %get3A_8 : vector<1x64xf32> to vector<640x64xf32>
    %add3A_9 = arith.addf %dot_general3A_5, %add3A : vector<640x64xf32>
    %max3A = arith.constant 0.000000e+00 : f32
    %max3A_10 = vector.broadcast %max3A : f32 to vector<640x64xf32>
    %max3A_11 = arith.maximumf %add3A_9, %max3A_10 : vector<640x64xf32>
    %get3A_12 = arith.constant 0 : index
    %get3A_13 = arith.constant 0 : index
    %get3A_14 = vector.load %arg4[%get3A_12, %get3A_13] : memref<64x64xf32, #tpu.memory_space<vmem>>, vector<64x64xf32>
    %dot_general3A_15 = arith.constant dense<0.000000e+00> : vector<640x64xf32>
    %dot_general3A_16 = tpu.matmul %max3A_11, %get3A_14, %dot_general3A_15 {dimension_numbers = #tpu.dot_dimension_numbers<[1], [0], [0], [1], [0, 0, 1, 1], [], []>, transpose_lhs_hint = false} : vector<640x64xf32>, vector<64x64xf32>, vector<640x64xf32> -> vector<640x64xf32>
    %get3A_17 = arith.constant 0 : index
    %get3A_18 = arith.constant 0 : index
    %get3A_19 = vector.load %arg5[%get3A_17, %get3A_18] : memref<1x64xf32, #tpu.memory_space<vmem>>, vector<1x64xf32>
    %add3A_20 = vector.broadcast %get3A_19 : vector<1x64xf32> to vector<640x64xf32>
    %add3A_21 = arith.addf %dot_general3A_16, %add3A_20 : vector<640x64xf32>
    %swap3A = arith.constant 0 : index
    %swap3A_22 = arith.constant 0 : index
    %swap3A_23 = vector.load %arg6[%swap3A, %swap3A_22] : memref<640x64xf32, #tpu.memory_space<vmem>>, vector<640x64xf32>
    tpu.vector_store %arg6[%swap3A, %swap3A_22], %add3A_21 {strides = array<i32>} : memref<640x64xf32, #tpu.memory_space<vmem>>, vector<640x64xf32>,
    return
  }
  func.func @transform_0(%arg0: i32) -> (i32, i32) {
    %c0_i32 = arith.constant 0 : i32
    %c0_i32_0 = arith.constant 0 : i32
    return %arg0, %c0_i32 : i32, i32
  }
  func.func @transform_1(%arg0: i32) -> (i32, i32) {
    %c0_i32 = arith.constant 0 : i32
    %c0_i32_0 = arith.constant 0 : i32
    %c0_i32_1 = arith.constant 0 : i32
    return %c0_i32, %c0_i32_0 : i32, i32
  }
  func.func @transform_2(%arg0: i32) -> (i32, i32) {
    %c0_i32 = arith.constant 0 : i32
    %c0_i32_0 = arith.constant 0 : i32
    %c0_i32_1 = arith.constant 0 : i32
    return %c0_i32, %c0_i32_0 : i32, i32
  }
  func.func @transform_3(%arg0: i32) -> (i32, i32) {
    %c0_i32 = arith.constant 0 : i32
    %c0_i32_0 = arith.constant 0 : i32
    %c0_i32_1 = arith.constant 0 : i32
    return %c0_i32, %c0_i32_0 : i32, i32
  }
  func.func @transform_4(%arg0: i32) -> (i32, i32) {
    %c0_i32 = arith.constant 0 : i32
    %c0_i32_0 = arith.constant 0 : i32
    %c0_i32_1 = arith.constant 0 : i32
    return %c0_i32, %c0_i32_0 : i32, i32
  }
  func.func @transform_5(%arg0: i32) -> (i32, i32) {
    %c0_i32 = arith.constant 0 : i32
    %c0_i32_0 = arith.constant 0 : i32
    return %arg0, %c0_i32 : i32, i32
  }
}

module attributes {stable_mosaic.version = 14 : i64} {
  func.func @_logsoftmax_body(%arg0: i32, %arg1: memref<1x640x32xf32, #tpu.memory_space<vmem>>, %arg2: memref<1x640x32xf32, #tpu.memory_space<vmem>>, %arg3: memref<640x1xf32, #tpu.memory_space<vmem>>, %arg4: memref<640x64xf32, #tpu.memory_space<vmem>>) attributes {dimension_semantics = [#tpu.dimension_semantics<arbitrary>], iteration_bounds = array<i64: 16>, scalar_prefetch = 0 : i64, scratch_operands = 0 : i64, tpu.core_type = #tpu.core_type<tc>, window_params = [{transform_indices = @transform_0, window_bounds = array<i64: 1, 640, 32>}, {transform_indices = @transform_1, window_bounds = array<i64: 1, 640, 32>}, {transform_indices = @transform_2, window_bounds = array<i64: 640, 1>}, {transform_indices = @transform_3, window_bounds = array<i64: 640, 64>}]} {
    %get3A = arith.constant 0 : index
    %get3A_0 = arith.constant 0 : index
    %get3A_1 = arith.constant 0 : index
    %get3A_2 = vector.load %arg1[%get3A, %get3A_0, %get3A_1] : memref<1x640x32xf32, #tpu.memory_space<vmem>>, vector<1x640x32xf32>
    %get3A_3 = vector.shape_cast %get3A_2 : vector<1x640x32xf32> to vector<640x32xf32>
    %get3A_4 = arith.constant 0 : index
    %get3A_5 = arith.constant 0 : index
    %get3A_6 = arith.constant 0 : index
    %get3A_7 = vector.load %arg2[%get3A_4, %get3A_5, %get3A_6] : memref<1x640x32xf32, #tpu.memory_space<vmem>>, vector<1x640x32xf32>
    %get3A_8 = vector.shape_cast %get3A_7 : vector<1x640x32xf32> to vector<640x32xf32>
    %concatenate3A = tpu.concatenate %get3A_3, %get3A_8 in 1 : vector<640x32xf32>, vector<640x32xf32> -> vector<640x64xf32>
    %get3A_9 = arith.constant 0 : index
    %get3A_10 = arith.constant 0 : index
    %get3A_11 = vector.load %arg3[%get3A_9, %get3A_10] : memref<640x1xf32, #tpu.memory_space<vmem>>, vector<640x1xf32>
    %mul3A = vector.broadcast %get3A_11 : vector<640x1xf32> to vector<640x64xf32>
    %mul3A_12 = arith.mulf %concatenate3A, %mul3A : vector<640x64xf32>
    %reduce_max3A = arith.constant dense<0xFF800000> : vector<640xf32>
    %reduce_max3A_13 = vector.multi_reduction <maximumf>, %mul3A_12, %reduce_max3A [1] : vector<640x64xf32> to vector<640xf32>
    %broadcast_in_dim3A = vector.shape_cast %reduce_max3A_13 : vector<640xf32> to vector<640x1xf32>
    %sub3A = vector.broadcast %broadcast_in_dim3A : vector<640x1xf32> to vector<640x64xf32>
    %sub3A_14 = arith.subf %mul3A_12, %sub3A : vector<640x64xf32>
    %exp3A = math.exp %sub3A_14 : vector<640x64xf32>
    %sub3A_15 = vector.broadcast %broadcast_in_dim3A : vector<640x1xf32> to vector<640x64xf32>
    %sub3A_16 = arith.subf %mul3A_12, %sub3A_15 : vector<640x64xf32>
    %reduce_sum3A = arith.constant dense<0.000000e+00> : vector<640xf32>
    %reduce_sum3A_17 = vector.multi_reduction <add>, %exp3A, %reduce_sum3A [1] : vector<640x64xf32> to vector<640xf32>
    %broadcast_in_dim3A_18 = vector.shape_cast %reduce_sum3A_17 : vector<640xf32> to vector<640x1xf32>
    %log3A = math.log %broadcast_in_dim3A_18 : vector<640x1xf32>
    %sub3A_19 = vector.broadcast %log3A : vector<640x1xf32> to vector<640x64xf32>
    %sub3A_20 = arith.subf %sub3A_16, %sub3A_19 : vector<640x64xf32>
    %swap3A = arith.constant 0 : index
    %swap3A_21 = arith.constant 0 : index
    %swap3A_22 = vector.load %arg4[%swap3A, %swap3A_21] : memref<640x64xf32, #tpu.memory_space<vmem>>, vector<640x64xf32>
    tpu.vector_store %arg4[%swap3A, %swap3A_21], %sub3A_20 {strides = array<i32>} : memref<640x64xf32, #tpu.memory_space<vmem>>, vector<640x64xf32>,
    return
  }
  func.func @transform_0(%arg0: i32) -> (i32, i32, i32) {
    %c0_i32 = arith.constant 0 : i32
    %c0_i32_0 = arith.constant 0 : i32
    %c0_i32_1 = arith.constant 0 : i32
    return %c0_i32, %arg0, %c0_i32_0 : i32, i32, i32
  }
  func.func @transform_1(%arg0: i32) -> (i32, i32, i32) {
    %c1_i32 = arith.constant 1 : i32
    %c0_i32 = arith.constant 0 : i32
    %c0_i32_0 = arith.constant 0 : i32
    return %c1_i32, %arg0, %c0_i32 : i32, i32, i32
  }
  func.func @transform_2(%arg0: i32) -> (i32, i32) {
    %c0_i32 = arith.constant 0 : i32
    %c0_i32_0 = arith.constant 0 : i32
    return %arg0, %c0_i32 : i32, i32
  }
  func.func @transform_3(%arg0: i32) -> (i32, i32) {
    %c0_i32 = arith.constant 0 : i32
    %c0_i32_0 = arith.constant 0 : i32
    return %arg0, %c0_i32 : i32, i32
  }
}

</mosaic_0001>

<sc_bundles>
// kernel: kernel.5.cloned.1.call-start
scs
__scs_entry_jumppad:
0x0: {  	(pc) =	sbr.rel $0x88, $3  }
0x1: {  	(tag) =	ssettag $0x0;
	lr =	simm.s32 $0x1  }
0x2: {  	[smem:$0x3F9B] =	sst lr;
	_ =	strace $0xD0000000  }
0x3: {  	_ = 	snop  }
0x4: {  	_ = 	snop  }
0x5: {  	_ = 	snop  }
0x6: {  	_ = 	snop  }
0x7: {  	_ = 	snop  }
__scs_overlays_trampoline_lowered:
0x8: {  	[smem:$0x3FAA] =	sst s0  }
0x9: {  	[smem:$0x3FAB] =	sst s1  }
0xa: {  	[smem:$0x3FAC] =	sst s2  }
0xb: {  	[smem:$0x3FAD] =	sst s3  }
0xc: {  	[smem:$0x3FAE] =	sst s4  }
0xd: {  	[smem:$0x3FAF] =	sst s5  }
0xe: {  	[smem:$0x3FB0] =	sst s6  }
0xf: {  	[smem:$0x3FB1] =	sst s7  }
0x10: {  	[smem:$0x3FB2] =	sst s8  }
0x11: {  	[smem:$0x3FB3] =	sst s9;
	s0 =	simm.s32 @!p0 $0x0  }
0x12: {  	s1 =	sld [smem:$0x3F99];
	s0 =	simm.s32 @p0 $0x1  }
0x13: {  	[smem:$0x3FB4] =	sst s0;
	s0 =	simm.s32 @!p1 $0x0  }
0x14: {  	s2 =	sld [smem:$0x3F98];
	s0 =	simm.s32 @p1 $0x1  }
0x15: {  	[smem:$0x3FB5] =	sst s0;
	s0 =	simm.s32 @!p2 $0x0  }
0x16: {  	s3 =	sld [smem:$0x3FDB];
	s0 =	simm.s32 @p2 $0x1  }
0x17: {  	s4 =	simm.s32 $0x1BF5;
	[smem:$0x3FB7] =	sst s0  }
0x18: {  	s0 =	sld [smem:$0x3F9A];
	_ =	swait.ge [sflag:s4], $0x0  }
0x19: {  	s7 =	sld [smem:$0x3F9B]  }
0x1a: {  	s8 =	sadd.s32 $0xFFFFE003, lr  }
0x1b: {  	s9 =	sadd.s32 $0xFFFFFEF7, lr;
	s5 =	simm.s32 $0xFFFFFFFF;
	p2 =	slt.u32 s8, $0xFFFFF086  }
0x1c: {  	p1 =	slt.u32 s9, $0xF7A;
	s5 =	simm.s32 @!p2 $0x0  }
0x1d: {  	s5 =	simm.s32 @p1 $0x1;
	p0 =	seq.s32 s7, s2  }
0x1e: {  	s7 =	smul.u32 @!p0 $0xF7A, s2;
	p2 =	seq.s32 @!p0 s5, $0x0  }
0x1f: {  	s9 =	smul.u32 $0xF7A, s1;
	s8 =	simm.s32 @!p0 $0x1BF5;
	p2 =	por !p2, p0  }
0x20: {  	[sflag:s8] =	ssyncset.s32 @!p0 $0xFFFFF086;
	s6 =	sadd.s32 @!p0 s3, s7;
	s7 =	simm.s32 @!p0 $0x108  }
0x21: {  	s3 =	sadd.s32 s3, s9;
	s6 =	sadd.s32 @!p0 $0x88, s6;
	s7 =	simm.s32 @p2 $0x1082  }
0x22: {  	[simem:s7], [sflag:s8] =	dma.local @!p0 [hbm:s6], $0xF7A  }
0x23: {  	s9 =	sor.u32 $0xD0000000, s2;
	s6 =	simm.s32 $0x108;
	_ =	swait.ge @!p0 [sflag:s8], $0x0  }
0x24: {  	s3 =	sadd.s32 $0x88, s3;
	s6 =	simm.s32 @!p1 $0x1082;
	[sflag:s4] =	ssyncset.s32 $0xFFFFF086  }
0x25: {  	[simem:s6], [sflag:s4] =	dma.local [hbm:s3], $0xF7A  }
0x26: {  	[smem:$0x3F9B] =	sst s1;
	(tag) =	ssettag s2;
	_ =	strace s9  }
0x27: {  	s1 =	sld [smem:$0x3FAB]  }
0x28: {  	s2 =	sld [smem:$0x3FAC]  }
0x29: {  	s4 =	sld [smem:$0x3FAE]  }
0x2a: {  	p0 =	seq.s32 s5, $0x0;
	s5 =	sld [smem:$0x3FAF]  }
0x2b: {  	s6 =	sld [smem:$0x3FB0]  }
0x2c: {  	s7 =	sld [smem:$0x3FB1]  }
0x2d: {  	s3 =	simm.s32 $0x108;
	s8 =	sld [smem:$0x3FB2]  }
0x2e: {  	s3 =	simm.s32 @!p0 $0x1082;
	s9 =	sld [smem:$0x3FB3]  }
0x2f: {  	lr =	sadd.s32 s0, s3;
	s0 =	sld [smem:$0x3FAA]  }
0x30: {  	s3 =	sld [smem:$0x3FAD]  }
0x31: {  	[smem:$0x3FB6] =	sst s10  }
0x32: {  	s10 =	sld [smem:$0x3FB4];
	_ =	sdelay $0x3  }
0x33: {  	p0 =	seq.s32 s10, $0x1;
	s10 =	sld [smem:$0x3FB6];
	_ =	sdelay $0x3  }
0x34: {  	[smem:$0x3FB6] =	sst s10  }
0x35: {  	s10 =	sld [smem:$0x3FB5];
	_ =	sdelay $0x3  }
0x36: {  	p1 =	seq.s32 s10, $0x1;
	s10 =	sld [smem:$0x3FB6];
	_ =	sdelay $0x3  }
0x37: {  	[smem:$0x3FB6] =	sst s10  }
0x38: {  	s10 =	sld [smem:$0x3FB7]  }
0x39: {  	_ = 	snop;
	(pc) =	sbr.ind lr, $3  }
0x3a: {  	_ = 	snop  }
0x3b: {  	_ = 	snop  }
0x3c: {  	p2 =	seq.s32 s10, $0x1;
	s10 =	sld [smem:$0x3FB6]  }
0x3d: {  	_ =	shalt  }
0x3e: {  	_ =	shalt  }
0x3f: {  	_ =	shalt  }
0x40: {  	_ =	shalt  }
0x41: {  	_ =	shalt  }
0x42: {  	_ =	shalt  }
0x43: {  	_ =	shalt  }
0x44: {  	_ =	shalt  }
0x45: {  	_ =	shalt  }
0x46: {  	_ =	shalt  }
0x47: {  	_ =	shalt  }
0x48: {  	_ =	shalt  }
0x49: {  	_ =	shalt  }
0x4a: {  	_ =	shalt  }
0x4b: {  	_ =	shalt  }
0x4c: {  	_ =	shalt  }
0x4d: {  	_ =	shalt  }
0x4e: {  	_ =	shalt  }
0x4f: {  	_ =	shalt  }
0x50: {  	_ =	shalt  }
0x51: {  	_ =	shalt  }
0x52: {  	_ =	shalt  }
0x53: {  	_ =	shalt  }
0x54: {  	_ =	shalt  }
0x55: {  	_ =	shalt  }
0x56: {  	_ =	shalt  }
0x57: {  	_ =	shalt  }
0x58: {  	_ =	shalt  }
0x59: {  	_ =	shalt  }
0x5a: {  	_ =	shalt  }
0x5b: {  	_ =	shalt  }
0x5c: {  	_ =	shalt  }
0x5d: {  	_ =	shalt  }
0x5e: {  	_ =	shalt  }
0x5f: {  	_ =	shalt  }
0x60: {  	_ =	shalt  }
0x61: {  	_ =	shalt  }
0x62: {  	_ =	shalt  }
0x63: {  	_ =	shalt  }
0x64: {  	_ =	shalt  }
0x65: {  	_ =	shalt  }
0x66: {  	_ =	shalt  }
0x67: {  	_ =	shalt  }
0x68: {  	_ =	shalt  }
0x69: {  	_ =	shalt  }
0x6a: {  	_ =	shalt  }
0x6b: {  	_ =	shalt  }
0x6c: {  	_ =	shalt  }
0x6d: {  	_ =	shalt  }
0x6e: {  	_ =	shalt  }
0x6f: {  	_ =	shalt  }
0x70: {  	_ =	shalt  }
0x71: {  	_ =	shalt  }
0x72: {  	_ =	shalt  }
0x73: {  	_ =	shalt  }
0x74: {  	_ =	shalt  }
0x75: {  	_ =	shalt  }
0x76: {  	_ =	shalt  }
0x77: {  	_ =	shalt  }
0x78: {  	_ =	shalt  }
0x79: {  	_ =	shalt  }
0x7a: {  	_ =	shalt  }
0x7b: {  	_ =	shalt  }
0x7c: {  	_ =	shalt  }
0x7d: {  	_ =	shalt  }
0x7e: {  	_ =	shalt  }
0x7f: {  	_ =	shalt  }
0x80: {  	_ =	shalt  }
0x81: {  	_ =	shalt  }
0x82: {  	_ =	shalt  }
0x83: {  	_ =	shalt  }
0x84: {  	_ =	shalt  }
0x85: {  	_ =	shalt  }
0x86: {  	_ =	shalt  }
0x87: {  	_ =	shalt  }
.Lfunc_end0:
.L_simem_size_0:
called_computation_lowered:
.L_overlay_start_0:
0x88: {  	s2 =	sld [smem:$0x3FD9]  }
0x89: {  	s3 =	sld [smem:$0x3FFE];
	_ =	sdelay $0x1  }
0x8a: {  	s1 =	srdreg.scid  }
0x8b: {  	s0 =	sand.u32 $0x1, s1  }
0x8c: {  	s17 =	sshll.u32 s0, $0xA;
	s2 =	sadd.s32 s3, s2  }
0x8d: {  	s2 =	sadd.s32 s2, s17  }
0x8e: {  	[smem:$0x3FC2] =	sst s2  }
0x8f: {  	_ = 	snop  }
0x90: {  	s2 =	sld [smem:$0x3FD0];
	(tm) =	ssettm $0x1  }
0x91: {  	s18 =	sld [smem:$0x3FFB];
	_ =	sdelay $0x3  }
0x92: {  	_ =	strace s18  }
0x93: {  	s3 =	sld [smem:$0x3FFC];
	_ =	sdelay $0x3  }
0x94: {  	_ =	strace s3  }
0x95: {  	s3 =	sld [smem:$0x3FFD];
	_ =	sdelay $0x3  }
0x96: {  	_ =	strace s3  }
0x97: {  	_ =	strace $0x8FFFFFFF  }
0x98: {  	s19 =	sld [smem:$0x3FDB];
	_ =	sdelay $0x1  }
0x99: {  	s4 =	simm.s32 $_scs_section_size  }
0x9a: {  	s5 =	simm.s32 $_size__tile_overlayer_lowered;
	s6 =	simm.s32 $_tile_overlayer_lowered  }
0x9b: {  	s22 =	simm.s32 $0x1BFF;
	s21 =	sshll.u32 s6, $0x1;
	s3 =	sadd.s32 s4, s19  }
0x9c: {  	s7 =	simm.s32 $0x0;
	s20 =	sshll.u32 s5, $0x1;
	s5 =	sadd.s32 s21, s3  }
0x9d: {  	[timem:s7], [sflag:s22] =	dma.local [hbm:s5], s20  }
0x9e: {  	_ =	swait.ge [sflag:s22], s20  }
0x9f: {  	s4 =	ssub.s32 $0x0, s20;
	[sflag:s22] =	ssyncset.done $0x0  }
0xa0: {  	[sflag:s22] =	ssyncadd.s32 s4;
	_ =	sdelay $0x1  }
0xa1: {  	s23 =	simm.s32 $0x1B8B  }
0xa2: {  	_ =	swait.ge [sflag:s23], $0x1  }
0xa3: {  	[sflag:s23] =	ssyncset.done $0x0  }
0xa4: {  	s25 =	simm.s32 $0x1B8E;
	s24 =	sld [smem:$0x3FFE];
	[sflag:s23] =	ssyncadd.s32 $0xFFFFFFFF  }
0xa5: {  	s26 =	simm.s32 $execute0_lowered;
	[smem:$0x3FD2] =	sst s25  }
0xa6: {  	s5 =	sshll.u32 s26, $0x1;
	_ =	strace $0x80000046;
	[dreg:$0x1] =	wrdreg $0xFFFFFFFF  }
0xa7: {  	s28 =	simm.s32 $_size_execute0_lowered;
	s3 =	sadd.s32 s3, s5;
	[dreg:$0x0] =	wrdreg $0x0  }
0xa8: {  	s5 =	sshll.u32 s28, $0x1;
	[dreg:$0x2] =	wrdreg s3  }
0xa9: {  	[dreg:$0x3] =	wrdreg s5  }
0xaa: {  	[dreg:$0x4] =	wrdreg $0xC0  }
0xab: {  	_ =	task [dreg:s7], $0x5FFFF  }
0xac: {  	[dreg:$0x1] =	wrdreg $0xFFFFFFFF  }
0xad: {  	[dreg:$0x0] =	wrdreg $0x60  }
0xae: {  	[dreg:$0x2] =	wrdreg s24  }
0xaf: {  	[dreg:$0x3] =	wrdreg s2  }
0xb0: {  	[dreg:$0x4] =	wrdreg $0x1D2300  }
0xb1: {  	[dreg:$0x5] =	wrdreg $0x182300  }
0xb2: {  	[dreg:$0x6] =	wrdreg $0x132300  }
0xb3: {  	[dreg:$0x7] =	wrdreg $0x9  }
0xb4: {  	_ =	task.clear_ibuf [dreg:s7], $0x8FFFF;
	_ =	strace $0x90000046  }
0xb5: {  	s29 =	simm.s32 $0x9;
	_ =	strace $0x80000048  }
0xb6: {  	_ =	swait.ge [sflag:s29], $0x1  }
0xb7: {  	[sflag:s29] =	ssyncadd.s32 $0xFFFFFFFF  }
0xb8: {  	_ =	strace $0x90000048  }
0xb9: {  	_ =	sfence  }
0xba: {  	s30 =	sld [smem:$0x0];
	_ =	sdelay $0x2  }
0xbb: {  	s31 =	sshll.u32 s1, $0xD;
	s1 =	sshrl.u32 s1, $0x2  }
0xbc: {  	s3 =	sand.u32 $0x4000, s31;
	s1 =	sadd.s32 s1, s30  }
0xbd: {  	s0 =	sor.u32 s3, s0;
	s1 =	sshll.u32 s1, $0x11  }
0xbe: {  	s0 =	sor.u32 s1, s0  }
0xbf: {  	s0 =	sadd.s32 $0x8F2B, s0  }
0xc0: {  	[sflag:s0] =	ssyncadd.remote.s32 $0x1  }
0xc1: {  	_ =	sfence.sel $0xFFFF  }
0xc2: {  	[dreg:$0x0] =	wrdreg $0xFFFFFFFF;
	(pc) =	sbr.abs _section_cstart, $3  }
0xc3: {  	[dreg:$0x1] =	wrdreg $0xFFFFFFFF  }
0xc4: {  	_ =	task.clear_ibuf [dreg:s7], $0x2FFFF;
	_ =	strace $0x9FFFFFFF  }
0xc5: {  	(tm) =	ssettm $0x7FFFFFFF  }
tec
execute0_lowered:
.L_overlay_start_1:
0x0: {  	(tag) =	ssettag $0x1  }
0x1: {  	s0 =	rddreg [dreg:$0x0]  }
0x2: {  	s14 =	rddreg [dreg:$0x1]  }
0x3: {  	s15 =	rddreg [dreg:$0x2]  }
0x4: {  	s1 =	srdreg.scid;
	s5 =	rddreg [dreg:$0x3]  }
0x5: {  	s10 =	stileid.u32;
	s6 =	rddreg [dreg:$0x4]  }
0x6: {  	s7 =	simm.s32 $0x0;
	s30 =	simm.s32 $0x400;
	s31 =	simm.s32 $0x80  }
0x7: {  	s28 =	simm.s32 $0x500;
	s11 =	simm.s32 $0x200;
	s12 =	simm.s32 $0x600  }
0x8: {  	s13 =	simm.s32 $0x280;
	s29 =	simm.s32 $0x12FB0;
	s22 =	smul.u32 $0x5000, s10  }
0x9: {  	s1 =	sand.u32 $0x1, s1;
	[smem:$0x7FF] =	sst s7;
	s3 =	smul.u32 $0x280, s10  }
0xa: {  	s26 =	sadd.s32 $0x14C00, s0;
	s9 =	smul.u32 $0xA00, s10;
	s10 =	sshll.u32 s10, $0xB  }
0xb: {  	s2 =	smul.u32 $0x50000, s1;
	_ =	strace $0x80000047;
	s8 =	ssub.s32 $0x2, s1  }
0xc: {  	s17 =	sadd.s32 s10, s15;
	p0 =	sne.s32 s1, $0x0;
	[dreg:$0x7] =	wrdreg s26  }
0xd: {  	s10 =	simm.s32 $0x580;
	s4 =	sshrl.u32 s3, $0x3;
	[dreg:$0x8] =	wrdreg s17  }
0xe: {  	s16 =	sshrl.u32 s8, $0x1;
	s3 =	sadd.s32 s3, s15;
	[dreg:$0x6] =	wrdreg s22  }
0xf: {  	s18 =	sshrl.u32 s9, $0x2;
	s21 =	sadd.s32 s22, s5;
	[dreg:$0xa] =	wrdreg s3  }
0x10: {  	s23 =	sadd.s32 s22, s6;
	s17 =	simm.s32 $0x300;
	[dreg:$0xd] =	wrdreg s21  }
0x11: {  	s2 =	sadd.s32 s22, s2;
	s20 =	sadd.s32 s18, s15;
	[dreg:$0xe] =	wrdreg s23  }
0x12: {  	s18 =	sadd.s32 s9, s26;
	s21 =	simm.s32 $0x1;
	s23 =	simm.s32 $0x10800  }
0x13: {  	s2 =	sshrl.u32 s2, $0x3;
	s3 =	sadd.s32 $0x4000, s20;
	s20 =	simm.s32 $0x100  }
0x14: {  	s2 =	sadd.s32 s2, s0;
	s0 =	sadd.s32 s4, s0;
	s4 =	ssub.s32 s8, s16  }
0x15: {  	[dreg:$0xb] =	wrdreg s3;
	s16 =	simm.s32 $0x680;
	s19 =	sadd.s32 $0xC00, s2  }
0x16: {  	v0 =	vimm.f32 $0.0e+00;
	v1 =	vlaneseq.u32;
	s3 =	simm.s32 $0x700;
	s0 =	sadd.s32 $0x32C00, s0;
	[dreg:$0x9] =	wrdreg s19  }
0x17: {  	v2 =	vimm.f32 $1.000000000e+00;
	v3 =	vor.u32 $0x10, v1;
	v4 =	vor.u32 $0x20, v1;
	s24 =	sadd.s32 $0x1EC00, s2;
	s25 =	smax.u32 s4, $0x1;
	[dreg:$0xc] =	wrdreg s0  }
0x18: {  	v5 =	vadd.s32 $0x28, v1;
	v6 =	vadd.s32 $0x38, v1;
	v7 =	vadd.s32 $0x48, v1;
	s2 =	simm.s32 $0xF800;
	s4 =	simm.s32 $0x0;
	[dreg:$0xf] =	wrdreg s24  }
0x19: {  	v8 =	vor.u32 $0x80, v1;
	v9 =	vor.u32 $0x90, v1;
	v10 =	vor.u32 $0xA0, v1;
	[dreg:$0x10] =	wrdreg s25;
	s19 =	sadd.s32 s9, s14;
	s0 =	simm.s32 $0x480  }
0x1a: {  	v11 =	vadd.s32 $0xA8, v1;
	v12 =	vadd.s32 $0xB8, v1;
	v13 =	vadd.s32 $0xC8, v1;
	s9 =	simm.s32 $0x180;
	s24 =	simm.s32 $0x380;
	s25 =	simm.s32 $0x780  }
.LBB2_1:
0x1b: {  	[dreg:$0x11] =	wrdreg s4;
	s1 =	simm.s32 $0x10;
	s4 =	sand.u32 $0x7F0, s7  }
.LBB2_2:
0x1c: {  	p1 =	sne.s32 s1, $0x7F0;
	[tilespmem:s4+$0x12000] =	vst v0;
	s4 =	smov.u32 s1;
	s1 =	sadd.s32 $0x10, s1  }
.Ltmp0:
0x1d: {  	(pc) =	sbr.rel @p1 .LBB2_2-.Ltmp0, $2  }
0x1e: {  	_ =	sdelay $0x2  }
0x1f: {  	s4 =	sand.u32 $0x7F0, s4  }
0x20: {  	[tilespmem:s4+$0x12000] =	vst v0;
	s1 =	rddreg [dreg:$0x8];
	s8 =	simm.s32 $0x12000  }
0x21: {  	[spmem:s1] =	stream.linear.scatter [tilespmem:s8], [sflag:$0x1], $0x800, $0x38;
	[tilespmem:$0x1DA30] =	vst v63  }
0x22: {  	_ =	swait.ge [sflag:s21], $0x800  }
0x23: {  	s1 =	simm.s32 $0x0;
	[sflag:s21] =	ssyncset.done $0x0  }
0x24: {  	s8 =	simm.s32 $0xA800;
	s4 =	rddreg [dreg:$0x9];
	[sflag:s21] =	ssyncadd.s32 $0xFFFFF800  }
0x25: {  	[tilespmem:s8], [sflag:$0x1] =	stream.linear.gather [hbm4b:s4+s1], $0x5000, $0x38;
	[tilespmem:$0x1DA30] =	vst v63  }
0x26: {  	_ =	swait.ge [sflag:s21], $0x5000  }
0x27: {  	[sflag:s21] =	ssyncset.done $0x0  }
0x28: {  	[sflag:s21] =	ssyncadd.s32 $0xFFFFB000  }
0x29: {  	s4 =	simm.s32 $0x10;
	s8 =	sand.u32 $0x1FF0, s1;
	[bflag:$0x0] =	sbarrier.arrive $0xFFFF  }
.LBB2_4:
0x2a: {  	p1 =	sne.s32 s4, $0x17F0;
	[tilespmem:s8+$0x10800] =	vst v0;
	s8 =	smov.u32 s4;
	s4 =	sadd.s32 $0x10, s4  }
.Ltmp1:
0x2b: {  	(pc) =	sbr.rel @p1 .LBB2_4-.Ltmp1, $2  }
0x2c: {  	_ =	sdelay $0x2  }
0x2d: {  	s8 =	sand.u32 $0x1FF0, s8  }
0x2e: {  	[tilespmem:s8+$0x10800] =	vst v0  }
.LBB2_6:
0x2f: {  	s4 =	sshll.u32 s1, $0xA  }
0x30: {  	s4 =	sadd.s32 s22, s4  }
0x31: {  	s4 =	sshrl.u32 s4, $0x3  }
0x32: {  	s8 =	simm.s32 $0x0;
	s4 =	sadd.s32 s14, s4  }
0x33: {  	[tilespmem:s8], [sflag:$0x1] =	stream.linear.gather [hbm4b:s4+s8], $0x400, $0x38;
	[tilespmem:$0x1DA30] =	vst v63  }
0x34: {  	_ =	swait.ge [sflag:s21], $0x400  }
0x35: {  	[sflag:s21] =	ssyncset.done $0x0  }
0x36: {  	s8 =	sand.u32 $0x3F0, s8;
	s4 =	simm.s32 $0x10;
	[sflag:s21] =	ssyncadd.s32 $0xFFFFFC00  }
.LBB2_7:
0x37: {  	p1 =	sne.s32 s4, $0x3F0;
	v14 =	vld [tilespmem:s8+$0x0];
	_ =	sdelay $0x4  }
0x38: {  	vm0 =	vlt.u32 v14, $0x1400;
	_ =	sdelay $0x1  }
.Ltmp2:
0x39: {  	(pc) =	sbr.rel @p1 .LBB2_7-.Ltmp2, $2  }
0x3a: {  	_ =	sdelay $0x2  }
0x3b: {  	s8 =	sand.u32 $0x3F0, s4;
	s4 =	sadd.s32 $0x10, s4;
	[tilespmem:v14+s23+$0x0] =	vst.idx.add.f32.msk vm0, v2  }
0x3c: {  	v14 =	vld [tilespmem:s8+$0x0];
	_ =	sdelay $0x4  }
0x3d: {  	s1 =	sadd.s32 $0x1, s1;
	vm0 =	vlt.u32 v14, $0x1400  }
0x3e: {  	p1 =	sne.s32 s1, $0x14  }
.Ltmp3:
0x3f: {  	_ = 	snop;
	(pc) =	sbr.rel @p1 .LBB2_6-.Ltmp3, $2  }
0x40: {  	_ =	sdelay $0x2  }
0x41: {  	[tilespmem:v14+s23+$0x0] =	vst.idx.add.f32.msk vm0, v2  }
0x42: {  	[tilespmem:$0x12800] =	vst v1  }
0x43: {  	[tilespmem:$0x12810] =	vst v3  }
0x44: {  	[tilespmem:$0x12820] =	vst v4;
	s1 =	simm.s32 $0x30;
	s4 =	simm.s32 $0x12800  }
0x45: {  	[spmem:s15] =	stream.indirect.scatter.add.f32 [tilespmem:s23], [sflag:$0x1], $0x80, s4, s1, $0xb8;
	[tilespmem:$0x1DA30] =	vst v63  }
0x46: {  	_ =	swait.ge [sflag:s21], $0x1800  }
0x47: {  	s1 =	simm.s32 $0x0;
	[sflag:s21] =	ssyncset.done $0x0  }
0x48: {  	s4 =	simm.s32 $0x10;
	s8 =	sand.u32 $0x1FF0, s1;
	[sflag:s21] =	ssyncadd.s32 $0xFFFFE800  }
.LBB2_10:
0x49: {  	p1 =	sne.s32 s4, $0x17F0;
	[tilespmem:s8+$0x10800] =	vst v0;
	s8 =	smov.u32 s4;
	s4 =	sadd.s32 $0x10, s4  }
.Ltmp4:
0x4a: {  	(pc) =	sbr.rel @p1 .LBB2_10-.Ltmp4, $2  }
0x4b: {  	_ =	sdelay $0x2  }
0x4c: {  	s8 =	sand.u32 $0x1FF0, s8  }
0x4d: {  	[tilespmem:s8+$0x10800] =	vst v0  }
.LBB2_12:
0x4e: {  	s4 =	sshll.u32 s1, $0xA  }
0x4f: {  	s4 =	sadd.s32 s22, s4  }
0x50: {  	s4 =	sshrl.u32 s4, $0x3  }
0x51: {  	s8 =	simm.s32 $0x0;
	s4 =	sadd.s32 s14, s4  }
0x52: {  	[tilespmem:s8], [sflag:$0x1] =	stream.linear.gather [hbm4b:s4+s8], $0x400, $0x38;
	[tilespmem:$0x1DA30] =	vst v63  }
0x53: {  	_ =	swait.ge [sflag:s21], $0x400  }
0x54: {  	[sflag:s21] =	ssyncset.done $0x0  }
0x55: {  	s8 =	sand.u32 $0x3F0, s8;
	s4 =	simm.s32 $0x10;
	[sflag:s21] =	ssyncadd.s32 $0xFFFFFC00  }
.LBB2_13:
0x56: {  	p1 =	sne.s32 s4, $0x3F0;
	v14 =	vld [tilespmem:s8+$0x0];
	_ =	sdelay $0x4  }
0x57: {  	v14 =	vadd.s32 $0xFFFFEC00, v14  }
0x58: {  	vm0 =	vlt.u32 v14, $0x1400;
	_ =	sdelay $0x1  }
.Ltmp5:
0x59: {  	(pc) =	sbr.rel @p1 .LBB2_13-.Ltmp5, $2  }
0x5a: {  	_ =	sdelay $0x2  }
0x5b: {  	s8 =	sand.u32 $0x3F0, s4;
	s4 =	sadd.s32 $0x10, s4;
	[tilespmem:v14+s23+$0x0] =	vst.idx.add.f32.msk vm0, v2  }
0x5c: {  	v14 =	vld [tilespmem:s8+$0x0];
	_ =	sdelay $0x4  }
0x5d: {  	v14 =	vadd.s32 $0xFFFFEC00, v14  }
0x5e: {  	s1 =	sadd.s32 $0x1, s1;
	vm0 =	vlt.u32 v14, $0x1400  }
0x5f: {  	p1 =	sne.s32 s1, $0x14  }
.Ltmp6:
0x60: {  	_ = 	snop;
	(pc) =	sbr.rel @p1 .LBB2_12-.Ltmp6, $2  }
0x61: {  	_ =	sdelay $0x2  }
0x62: {  	[tilespmem:v14+s23+$0x0] =	vst.idx.add.f32.msk vm0, v2  }
0x63: {  	[tilespmem:$0x12800] =	vst v5  }
0x64: {  	[tilespmem:$0x12810] =	vst v6  }
0x65: {  	[tilespmem:$0x12820] =	vst v7;
	s1 =	simm.s32 $0x30;
	s4 =	simm.s32 $0x12800  }
0x66: {  	[spmem:s15] =	stream.indirect.scatter.add.f32 [tilespmem:s23], [sflag:$0x1], $0x80, s4, s1, $0xb8;
	[tilespmem:$0x1DA30] =	vst v63  }
0x67: {  	_ =	swait.ge [sflag:s21], $0x1800  }
0x68: {  	s1 =	simm.s32 $0x0;
	[sflag:s21] =	ssyncset.done $0x0  }
0x69: {  	s4 =	simm.s32 $0x10;
	s8 =	sand.u32 $0x1FF0, s1;
	[sflag:s21] =	ssyncadd.s32 $0xFFFFE800  }
.LBB2_16:
0x6a: {  	p1 =	sne.s32 s4, $0x17F0;
	[tilespmem:s8+$0x10800] =	vst v0;
	s8 =	smov.u32 s4;
	s4 =	sadd.s32 $0x10, s4  }
.Ltmp7:
0x6b: {  	(pc) =	sbr.rel @p1 .LBB2_16-.Ltmp7, $2  }
0x6c: {  	_ =	sdelay $0x2  }
0x6d: {  	s8 =	sand.u32 $0x1FF0, s8  }
0x6e: {  	[tilespmem:s8+$0x10800] =	vst v0;
	s14 =	simm.s32 $0x12830  }
.LBB2_18:
0x6f: {  	s4 =	sshll.u32 s1, $0xA  }
0x70: {  	s4 =	sadd.s32 s22, s4  }
0x71: {  	s4 =	sshrl.u32 s4, $0x3  }
0x72: {  	s8 =	simm.s32 $0x0;
	s4 =	sadd.s32 s26, s4  }
0x73: {  	[tilespmem:s8], [sflag:$0x1] =	stream.linear.gather [hbm4b:s4+s8], $0x400, $0x38;
	[tilespmem:$0x1DA30] =	vst v63  }
0x74: {  	_ =	swait.ge [sflag:s21], $0x400  }
0x75: {  	[sflag:s21] =	ssyncset.done $0x0  }
0x76: {  	s8 =	sand.u32 $0x3F0, s8;
	s4 =	simm.s32 $0x10;
	[sflag:s21] =	ssyncadd.s32 $0xFFFFFC00  }
.LBB2_19:
0x77: {  	p1 =	sne.s32 s4, $0x3F0;
	v14 =	vld [tilespmem:s8+$0x0];
	_ =	sdelay $0x4  }
0x78: {  	vm0 =	vlt.u32 v14, $0x1400;
	_ =	sdelay $0x1  }
.Ltmp8:
0x79: {  	(pc) =	sbr.rel @p1 .LBB2_19-.Ltmp8, $2  }
0x7a: {  	_ =	sdelay $0x2  }
0x7b: {  	s8 =	sand.u32 $0x3F0, s4;
	s4 =	sadd.s32 $0x10, s4;
	[tilespmem:v14+s23+$0x0] =	vst.idx.add.f32.msk vm0, v2  }
0x7c: {  	v14 =	vld [tilespmem:s8+$0x0];
	_ =	sdelay $0x4  }
0x7d: {  	s1 =	sadd.s32 $0x1, s1;
	vm0 =	vlt.u32 v14, $0x1400  }
0x7e: {  	p1 =	sne.s32 s1, $0x14  }
.Ltmp9:
0x7f: {  	_ = 	snop;
	(pc) =	sbr.rel @p1 .LBB2_18-.Ltmp9, $2  }
0x80: {  	_ =	sdelay $0x2  }
0x81: {  	[tilespmem:v14+s23+$0x0] =	vst.idx.add.f32.msk vm0, v2  }
0x82: {  	[tilespmem:$0x12800] =	vst v8  }
0x83: {  	[tilespmem:$0x12810] =	vst v9  }
0x84: {  	[tilespmem:$0x12820] =	vst v10;
	s1 =	simm.s32 $0x30;
	s4 =	simm.s32 $0x12800  }
0x85: {  	[spmem:s15] =	stream.indirect.scatter.add.f32 [tilespmem:s23], [sflag:$0x1], $0x80, s4, s1, $0xb8;
	[tilespmem:$0x1DA30] =	vst v63  }
0x86: {  	_ =	swait.ge [sflag:s21], $0x1800  }
0x87: {  	s1 =	simm.s32 $0x0;
	[sflag:s21] =	ssyncset.done $0x0  }
0x88: {  	s4 =	simm.s32 $0x10;
	s8 =	sand.u32 $0x1FF0, s1;
	[sflag:s21] =	ssyncadd.s32 $0xFFFFE800  }
.LBB2_22:
0x89: {  	p1 =	sne.s32 s4, $0x17F0;
	[tilespmem:s8+$0x10800] =	vst v0;
	s8 =	smov.u32 s4;
	s4 =	sadd.s32 $0x10, s4  }
.Ltmp10:
0x8a: {  	(pc) =	sbr.rel @p1 .LBB2_22-.Ltmp10, $2  }
0x8b: {  	_ =	sdelay $0x2  }
0x8c: {  	s8 =	sand.u32 $0x1FF0, s8  }
0x8d: {  	[tilespmem:s8+$0x10800] =	vst v0  }
.LBB2_24:
0x8e: {  	s4 =	sshll.u32 s1, $0xA  }
0x8f: {  	s4 =	sadd.s32 s22, s4  }
0x90: {  	s4 =	sshrl.u32 s4, $0x3  }
0x91: {  	s8 =	simm.s32 $0x0;
	s4 =	sadd.s32 s26, s4  }
0x92: {  	[tilespmem:s8], [sflag:$0x1] =	stream.linear.gather [hbm4b:s4+s8], $0x400, $0x38;
	[tilespmem:$0x1DA30] =	vst v63  }
0x93: {  	_ =	swait.ge [sflag:s21], $0x400  }
0x94: {  	[sflag:s21] =	ssyncset.done $0x0  }
0x95: {  	s8 =	sand.u32 $0x3F0, s8;
	s4 =	simm.s32 $0x10;
	[sflag:s21] =	ssyncadd.s32 $0xFFFFFC00  }
.LBB2_25:
0x96: {  	p1 =	sne.s32 s4, $0x3F0;
	v14 =	vld [tilespmem:s8+$0x0];
	_ =	sdelay $0x4  }
0x97: {  	v14 =	vadd.s32 $0xFFFFEC00, v14  }
0x98: {  	vm0 =	vlt.u32 v14, $0x1400;
	_ =	sdelay $0x1  }
.Ltmp11:
0x99: {  	(pc) =	sbr.rel @p1 .LBB2_25-.Ltmp11, $2  }
0x9a: {  	_ =	sdelay $0x2  }
0x9b: {  	s8 =	sand.u32 $0x3F0, s4;
	s4 =	sadd.s32 $0x10, s4;
	[tilespmem:v14+s23+$0x0] =	vst.idx.add.f32.msk vm0, v2  }
0x9c: {  	v14 =	vld [tilespmem:s8+$0x0];
	_ =	sdelay $0x4  }
0x9d: {  	v14 =	vadd.s32 $0xFFFFEC00, v14  }
0x9e: {  	s1 =	sadd.s32 $0x1, s1;
	vm0 =	vlt.u32 v14, $0x1400  }
0x9f: {  	p1 =	sne.s32 s1, $0x14  }
.Ltmp12:
0xa0: {  	_ = 	snop;
	(pc) =	sbr.rel @p1 .LBB2_24-.Ltmp12, $2  }
0xa1: {  	_ =	sdelay $0x2  }
0xa2: {  	[tilespmem:v14+s23+$0x0] =	vst.idx.add.f32.msk vm0, v2  }
0xa3: {  	[tilespmem:$0x12800] =	vst v11  }
0xa4: {  	[tilespmem:$0x12810] =	vst v12  }
0xa5: {  	[tilespmem:$0x12820] =	vst v13;
	s1 =	simm.s32 $0x30;
	s4 =	simm.s32 $0x12800  }
0xa6: {  	[spmem:s15] =	stream.indirect.scatter.add.f32 [tilespmem:s23], [sflag:$0x1], $0x80, s4, s1, $0xb8;
	[tilespmem:$0x1DA30] =	vst v63  }
0xa7: {  	_ =	swait.ge [sflag:s21], $0x1800  }
0xa8: {  	[sflag:s21] =	ssyncset.done $0x0  }
0xa9: {  	[sflag:s21] =	ssyncadd.s32 $0xFFFFE800  }
0xaa: {  	[bflag:$0x0] =	sbarrier.arrive $0xFFFF  }
0xab: {  	s15 =	rddreg [dreg:$0xa]  }
0xac: {  	[tilespmem:s14], [sflag:$0x1] =	stream.linear.gather [spmem:s15], $0x280, $0x38;
	[tilespmem:$0x1DA30] =	vst v63  }
0xad: {  	_ =	swait.ge [sflag:s21], $0x280  }
0xae: {  	[sflag:s21] =	ssyncset.done $0x0  }
0xaf: {  	s26 =	simm.s32 $0x12AB0;
	s22 =	rddreg [dreg:$0xb];
	[sflag:s21] =	ssyncadd.s32 $0xFFFFFD80  }
0xb0: {  	[tilespmem:s26], [sflag:$0x1] =	stream.linear.gather [spmem:s22], $0x280, $0x38;
	[tilespmem:$0x1DA30] =	vst v63  }
0xb1: {  	_ =	swait.ge [sflag:s21], $0x280  }
0xb2: {  	[sflag:s21] =	ssyncset.done $0x0  }
0xb3: {  	s1 =	simm.s32 $0x0;
	[sflag:s21] =	ssyncadd.s32 $0xFFFFFD80  }
0xb4: {  	v14 =	vld [tilespmem:s1+$0x12830]  }
0xb5: {  	v15 =	vld [tilespmem:s1+$0x12AB0];
	_ =	sdelay $0x3  }
0xb6: {  	v14 =	vadd.f32 $1.000000000e+00, v14  }
0xb7: {  	v15 =	vadd.f32 $1.000000000e+00, v15  }
0xb8: {  	v16 =	vshra.s32 v14, $0x1;
	v17 =	vmul.f32 $5.000000000e-01, v14  }
0xb9: {  	v18 =	vshra.s32 v15, $0x1;
	v15 =	vmul.f32 $5.000000000e-01, v15;
	v16 =	vsub.s32 $0x5F3759DF, v16  }
0xba: {  	v18 =	vsub.s32 $0x5F3759DF, v18;
	v19 =	vmul.f32 v16, v17  }
0xbb: {  	v20 =	vmul.f32 v18, v15  }
0xbc: {  	v19 =	vmul.f32 v16, v19  }
0xbd: {  	v20 =	vmul.f32 v18, v20  }
0xbe: {  	v19 =	vsub.f32 $1.500000000e+00, v19  }
0xbf: {  	v20 =	vsub.f32 $1.500000000e+00, v20  }
0xc0: {  	v16 =	vmul.f32 v16, v19  }
0xc1: {  	v18 =	vmul.f32 v18, v20  }
0xc2: {  	v19 =	vmul.f32 v16, v17  }
0xc3: {  	v20 =	vmul.f32 v18, v15  }
0xc4: {  	v19 =	vmul.f32 v19, v16  }
0xc5: {  	v20 =	vmul.f32 v20, v18  }
0xc6: {  	v19 =	vsub.f32 $1.500000000e+00, v19  }
0xc7: {  	v20 =	vsub.f32 $1.500000000e+00, v20  }
0xc8: {  	v16 =	vmul.f32 v19, v16  }
0xc9: {  	v18 =	vmul.f32 v20, v18  }
0xca: {  	v17 =	vmul.f32 v16, v17  }
0xcb: {  	v15 =	vmul.f32 v18, v15  }
0xcc: {  	v17 =	vmul.f32 v17, v16  }
0xcd: {  	v15 =	vmul.f32 v15, v18  }
0xce: {  	v17 =	vsub.f32 $1.500000000e+00, v17  }
0xcf: {  	v19 =	vsub.f32 $1.500000000e+00, v15  }
0xd0: {  	v15 =	vmul.f32 v17, v16  }
0xd1: {  	s15 =	simm.s32 $0x40;
	s22 =	simm.s32 $0x80;
	v16 =	vmul.f32 v19, v18  }
.LBB2_28:
0xd2: {  	p1 =	sne.s32 s22, $0x9C0;
	s4 =	sshra.s32 s15, $0x2;
	v14 =	vmul.f32 v15, v14;
	[tilespmem:s1+$0x12830] =	vst v15;
	s15 =	smov.u32 s22  }
0xd3: {  	v17 =	vld [tilespmem:s4+$0x12830];
	[tilespmem:s1+$0x12AB0] =	vst v16;
	v15 =	vmul.f32 v16, v15  }
0xd4: {  	v16 =	vld [tilespmem:s4+$0x12AB0];
	[tilespmem:s1+$0x12D30] =	vst v14  }
0xd5: {  	[tilespmem:s1+$0x12FB0] =	vst v15;
	s1 =	smov.u32 s4;
	_ =	sdelay $0x2  }
0xd6: {  	v14 =	vadd.f32 $1.000000000e+00, v17  }
0xd7: {  	v15 =	vadd.f32 $1.000000000e+00, v16  }
0xd8: {  	v16 =	vshra.s32 v14, $0x1;
	v17 =	vmul.f32 $5.000000000e-01, v14  }
0xd9: {  	v16 =	vsub.s32 $0x5F3759DF, v16;
	v18 =	vshra.s32 v15, $0x1;
	v15 =	vmul.f32 $5.000000000e-01, v15  }
0xda: {  	v19 =	vmul.f32 v16, v17;
	v18 =	vsub.s32 $0x5F3759DF, v18  }
0xdb: {  	v20 =	vmul.f32 v18, v15  }
0xdc: {  	v19 =	vmul.f32 v16, v19  }
0xdd: {  	v20 =	vmul.f32 v18, v20  }
0xde: {  	v19 =	vsub.f32 $1.500000000e+00, v19  }
0xdf: {  	v20 =	vsub.f32 $1.500000000e+00, v20  }
0xe0: {  	v16 =	vmul.f32 v16, v19  }
0xe1: {  	v18 =	vmul.f32 v18, v20  }
0xe2: {  	v19 =	vmul.f32 v16, v17  }
0xe3: {  	v20 =	vmul.f32 v18, v15  }
0xe4: {  	v19 =	vmul.f32 v19, v16  }
0xe5: {  	v20 =	vmul.f32 v20, v18  }
0xe6: {  	v19 =	vsub.f32 $1.500000000e+00, v19  }
0xe7: {  	v20 =	vsub.f32 $1.500000000e+00, v20  }
0xe8: {  	v16 =	vmul.f32 v19, v16  }
0xe9: {  	v18 =	vmul.f32 v20, v18  }
0xea: {  	v17 =	vmul.f32 v16, v17  }
0xeb: {  	v15 =	vmul.f32 v18, v15  }
0xec: {  	v17 =	vmul.f32 v17, v16  }
.Ltmp13:
0xed: {  	v15 =	vmul.f32 v15, v18;
	(pc) =	sbr.rel @p1 .LBB2_28-.Ltmp13, $4  }
0xee: {  	v17 =	vsub.f32 $1.500000000e+00, v17  }
0xef: {  	v19 =	vsub.f32 $1.500000000e+00, v15  }
0xf0: {  	v15 =	vmul.f32 v17, v16  }
0xf1: {  	s22 =	sadd.s32 $0x40, s22;
	v16 =	vmul.f32 v19, v18  }
0xf2: {  	s4 =	sshra.s32 s15, $0x2;
	[tilespmem:s1+$0x12830] =	vst v15  }
0xf3: {  	v17 =	vld [tilespmem:s4+$0x12830];
	[tilespmem:s1+$0x12AB0] =	vst v16  }
0xf4: {  	v18 =	vld [tilespmem:s4+$0x12AB0];
	_ =	sdelay $0x3  }
0xf5: {  	v17 =	vadd.f32 $1.000000000e+00, v17  }
0xf6: {  	v18 =	vadd.f32 $1.000000000e+00, v18  }
0xf7: {  	v19 =	vshra.s32 v17, $0x1;
	v20 =	vmul.f32 $5.000000000e-01, v17  }
0xf8: {  	v19 =	vsub.s32 $0x5F3759DF, v19;
	v21 =	vshra.s32 v18, $0x1;
	v18 =	vmul.f32 $5.000000000e-01, v18  }
0xf9: {  	v22 =	vmul.f32 v19, v20;
	v21 =	vsub.s32 $0x5F3759DF, v21  }
0xfa: {  	v23 =	vmul.f32 v21, v18  }
0xfb: {  	v22 =	vmul.f32 v19, v22  }
0xfc: {  	v23 =	vmul.f32 v21, v23  }
0xfd: {  	v22 =	vsub.f32 $1.500000000e+00, v22  }
0xfe: {  	v23 =	vsub.f32 $1.500000000e+00, v23  }
0xff: {  	v19 =	vmul.f32 v19, v22  }
0x100: {  	v21 =	vmul.f32 v21, v23  }
0x101: {  	v22 =	vmul.f32 v19, v20  }
0x102: {  	v23 =	vmul.f32 v21, v18  }
0x103: {  	v22 =	vmul.f32 v22, v19  }
0x104: {  	v23 =	vmul.f32 v23, v21  }
0x105: {  	v22 =	vsub.f32 $1.500000000e+00, v22  }
0x106: {  	v23 =	vsub.f32 $1.500000000e+00, v23  }
0x107: {  	v19 =	vmul.f32 v22, v19  }
0x108: {  	v21 =	vmul.f32 v23, v21  }
0x109: {  	v20 =	vmul.f32 v19, v20  }
0x10a: {  	v18 =	vmul.f32 v21, v18  }
0x10b: {  	v20 =	vmul.f32 v20, v19  }
0x10c: {  	v18 =	vmul.f32 v18, v21  }
0x10d: {  	v14 =	vmul.f32 v15, v14;
	v20 =	vsub.f32 $1.500000000e+00, v20  }
0x10e: {  	v15 =	vmul.f32 v16, v15;
	v16 =	vsub.f32 $1.500000000e+00, v18  }
0x10f: {  	[tilespmem:s1+$0x12D30] =	vst v14;
	v14 =	vmul.f32 v20, v19  }
0x110: {  	[tilespmem:s1+$0x12FB0] =	vst v15;
	v15 =	vmul.f32 v16, v21  }
0x111: {  	s22 =	simm.s32 $0x0;
	v16 =	vmul.f32 v14, v17;
	[tilespmem:s4+$0x12830] =	vst v14  }
0x112: {  	v17 =	vmov s22;
	[tilespmem:s4+$0x12AB0] =	vst v15;
	v14 =	vmul.f32 v15, v14  }
0x113: {  	s1 =	sand.u32 $0xFFFFFF80, s22;
	v15 =	vand.u32 $0x7F, v17;
	[tilespmem:s4+$0x12D30] =	vst v16  }
0x114: {  	s8 =	rddreg [dreg:$0xc];
	v15 =	vor.u32 s1, v15;
	s1 =	simm.s32 @!p0 $0x0;
	[tilespmem:s4+$0x12FB0] =	vst v14;
	s4 =	simm.s32 @!p0 $0x12D30  }
0x115: {  	v14 =	vbroadcast v15, $0x0;
	[hbm4b:s8+s1] =	stream.linear.scatter @!p0 [tilespmem:s4], [sflag:$0x1], $0x280, $0x38;
	[tilespmem:$0x1DA30] =	vst v63  }
0x116: {  	s1 =	simm.s32 @!p0 $0x1  }
0x117: {  	_ =	swait.ge @!p0 [sflag:s1], $0x280  }
0x118: {  	[sflag:s1] =	ssyncset.done @!p0 $0x0  }
0x119: {  	[sflag:s1] =	ssyncadd.s32 @!p0 $0xFFFFFD80;
	s1 =	simm.s32 $0xA810  }
0x11a: {  	v15 =	vld [tilespmem:s1+$0xFFFFFFF0]  }
0x11b: {  	v14 =	vld.idx.msk [tilespmem:v14+s14+$0x0], $0xffff;
	_ =	sdelay $0x4  }
0x11c: {  	v15 =	vmul.f32 v15, v14;
	_ =	sdelay $0x1  }
0x11d: {  	s8 =	simm.s32 $0x810;
	v16 =	vmul.f32 $1.000000010e-01, v15  }
0x11e: {  	s22 =	simm.s32 $0x5810;
	[tilespmem:s8+$0xFFFFFFF0] =	vst v15  }
0x11f: {  	[tilespmem:s22+$0xFFFFFFF0] =	vst v16  }
0x120: {  	v15 =	vld [tilespmem:s1+$0x0];
	_ =	sdelay $0x1  }
0x121: {  	s26 =	simm.s32 $0x1  }
0x122: {  	v16 =	vmov s26  }
0x123: {  	s4 =	sand.u32 $0xFFFFFF80, s26;
	v16 =	vand.u32 $0x7F, v16  }
0x124: {  	v15 =	vmul.f32 v15, v14;
	v14 =	vor.u32 s4, v16  }
0x125: {  	v14 =	vbroadcast v14, $0x0;
	_ =	sdelay $0x1  }
0x126: {  	s15 =	simm.s32 $0x5830;
	s4 =	simm.s32 $0x2;
	[tilespmem:s8+$0x0] =	vst v15;
	v15 =	vmul.f32 $1.000000010e-01, v15  }
.LBB2_30:
0x127: {  	s1 =	sadd.s32 $0x20, s1  }
0x128: {  	s8 =	sadd.s32 $0x20, s8;
	s14 =	smov.u32 s4;
	s26 =	sadd.s32 $0x1, s4  }
0x129: {  	[tilespmem:s22+$0x0] =	vst v15;
	s22 =	smov.u32 s15;
	p1 =	sne.s32 s4, $0x27F;
	s4 =	simm.s32 $0x12830  }
0x12a: {  	v15 =	vld.idx.msk [tilespmem:v14+s4+$0x0], $0xffff  }
0x12b: {  	v14 =	vld [tilespmem:s1+$0xFFFFFFF0];
	_ =	sdelay $0x4  }
0x12c: {  	v14 =	vmul.f32 v14, v15;
	_ =	sdelay $0x1  }
0x12d: {  	v16 =	vmul.f32 $1.000000010e-01, v14  }
0x12e: {  	[tilespmem:s8+$0xFFFFFFF0] =	vst v14  }
0x12f: {  	[tilespmem:s15+$0xFFFFFFF0] =	vst v16  }
0x130: {  	v16 =	vld [tilespmem:s1+$0x0]  }
0x131: {  	v14 =	vmov s14  }
0x132: {  	s4 =	sand.u32 $0xFFFFFF80, s14;
	v14 =	vand.u32 $0x7F, v14  }
0x133: {  	v14 =	vor.u32 s4, v14  }
.Ltmp14:
0x134: {  	v14 =	vbroadcast v14, $0x0;
	(pc) =	sbr.rel @p1 .LBB2_30-.Ltmp14, $3  }
0x135: {  	v15 =	vmul.f32 v16, v15;
	_ =	sdelay $0x1  }
0x136: {  	[tilespmem:s8+$0x0] =	vst v15;
	v15 =	vmul.f32 $1.000000010e-01, v15  }
0x137: {  	s15 =	sadd.s32 $0x20, s15;
	s4 =	smov.u32 s26  }
0x138: {  	_ =	sdelay $0x2  }
0x139: {  	[tilespmem:s22+$0x0] =	vst v15;
	s4 =	simm.s32 $0x12830  }
0x13a: {  	s1 =	sadd.s32 $0x20, s1;
	v14 =	vld.idx.msk [tilespmem:v14+s4+$0x0], $0xffff  }
0x13b: {  	v15 =	vld [tilespmem:s1+$0xFFFFFFF0];
	_ =	sdelay $0x4  }
0x13c: {  	v15 =	vmul.f32 v15, v14;
	_ =	sdelay $0x1  }
0x13d: {  	s26 =	sadd.s32 $0x20, s8;
	v16 =	vmul.f32 $1.000000010e-01, v15  }
0x13e: {  	[tilespmem:s26+$0xFFFFFFF0] =	vst v15  }
0x13f: {  	[tilespmem:s15+$0xFFFFFFF0] =	vst v16  }
0x140: {  	v15 =	vld [tilespmem:s1+$0x0];
	_ =	sdelay $0x4  }
0x141: {  	v14 =	vmul.f32 v15, v14;
	_ =	sdelay $0x1  }
0x142: {  	v15 =	vmul.f32 $1.000000010e-01, v14  }
0x143: {  	[tilespmem:s26+$0x0] =	vst v14  }
0x144: {  	s4 =	simm.s32 $0x0;
	s1 =	simm.s32 $0x80;
	[tilespmem:s15+$0x0] =	vst v15  }
.LBB2_32:
0x145: {  	p1 =	sne.s32 s1, $0x13F80;
	[tilespmem:s4+$0xA800] =	vst v0;
	s8 =	smov.u32 s1;
	s1 =	sadd.s32 $0x80, s1  }
.Ltmp15:
0x146: {  	[tilespmem:s4+$0xA810] =	vst v0;
	(pc) =	sbr.rel @p1 .LBB2_32-.Ltmp15, $2  }
0x147: {  	_ =	sdelay $0x2  }
0x148: {  	s4 =	sshra.s32 s8, $0x2  }
0x149: {  	[tilespmem:s4+$0xA800] =	vst v0  }
0x14a: {  	[tilespmem:s4+$0xA810] =	vst v0;
	s1 =	rddreg [dreg:$0xd];
	s15 =	simm.s32 $0xA800  }
0x14b: {  	[spmem:s1] =	stream.linear.scatter [tilespmem:s15], [sflag:$0x1], $0x5000, $0x38;
	[tilespmem:$0x1DA30] =	vst v63  }
0x14c: {  	_ =	swait.ge [sflag:s21], $0x5000  }
0x14d: {  	[sflag:s21] =	ssyncset.done $0x0  }
0x14e: {  	s26 =	simm.s32 $0x800;
	s22 =	rddreg [dreg:$0xe];
	[sflag:s21] =	ssyncadd.s32 $0xFFFFB000  }
0x14f: {  	[spmem:s22] =	stream.linear.scatter [tilespmem:s26], [sflag:$0x1], $0x5000, $0x38;
	[tilespmem:$0x1DA30] =	vst v63  }
0x150: {  	_ =	swait.ge [sflag:s21], $0x5000  }
0x151: {  	[sflag:s21] =	ssyncset.done $0x0  }
0x152: {  	[sflag:s21] =	ssyncadd.s32 $0xFFFFB000  }
0x153: {  	[bflag:$0x0] =	sbarrier.arrive $0xFFFF  }
0x154: {  	s1 =	simm.s32 $0x0;
	s26 =	rddreg [dreg:$0x7]  }
.LBB2_34:
0x155: {  	s4 =	sadd.s32 $0x0, s19  }
0x156: {  	[tilespmem:s7], [sflag:$0x1] =	stream.linear.gather [hbm4b:s4+s7], $0x400, $0x38;
	[tilespmem:$0x1DA30] =	vst v63  }
0x157: {  	_ =	swait.ge [sflag:s21], $0x400  }
0x158: {  	[sflag:s21] =	ssyncset.done $0x0  }
0x159: {  	s22 =	sadd.s32 $0x0, s18;
	[sflag:s21] =	ssyncadd.s32 $0xFFFFFC00  }
0x15a: {  	[tilespmem:s30], [sflag:$0x1] =	stream.linear.gather [hbm4b:s22+s7], $0x400, $0x38;
	[tilespmem:$0x1DA30] =	vst v63  }
0x15b: {  	_ =	swait.ge [sflag:s21], $0x400  }
0x15c: {  	[sflag:s21] =	ssyncset.done $0x0  }
0x15d: {  	[sflag:s21] =	ssyncadd.s32 $0xFFFFFC00  }
0x15e: {  	[tilespmem:s2], [sflag:$0x1] =	stream.indirect.gather [spmem:s6], $0x20, s7, s31, $0xb8;
	[tilespmem:$0x1DA30] =	vst v63  }
0x15f: {  	_ =	swait.ge [sflag:s21], $0x1000  }
0x160: {  	[sflag:s21] =	ssyncset.done $0x0  }
0x161: {  	[sflag:s21] =	ssyncadd.s32 $0xFFFFF000  }
0x162: {  	[spmem:s5] =	stream.indirect.scatter.add.f32 [tilespmem:s2], [sflag:$0x1], $0x20, s30, s31, $0xb8;
	[tilespmem:$0x1DA30] =	vst v63  }
0x163: {  	_ =	swait.ge [sflag:s21], $0x1000  }
0x164: {  	[sflag:s21] =	ssyncset.done $0x0  }
0x165: {  	[sflag:s21] =	ssyncadd.s32 $0xFFFFF000  }
0x166: {  	[tilespmem:s2], [sflag:$0x1] =	stream.indirect.gather [spmem:s6], $0x20, s31, s31, $0xb8;
	[tilespmem:$0x1DA30] =	vst v63  }
0x167: {  	_ =	swait.ge [sflag:s21], $0x1000  }
0x168: {  	[sflag:s21] =	ssyncset.done $0x0  }
0x169: {  	[sflag:s21] =	ssyncadd.s32 $0xFFFFF000  }
0x16a: {  	[spmem:s5] =	stream.indirect.scatter.add.f32 [tilespmem:s2], [sflag:$0x1], $0x20, s0, s31, $0xb8;
	[tilespmem:$0x1DA30] =	vst v63  }
0x16b: {  	_ =	swait.ge [sflag:s21], $0x1000  }
0x16c: {  	[sflag:s21] =	ssyncset.done $0x0  }
0x16d: {  	[sflag:s21] =	ssyncadd.s32 $0xFFFFF000  }
0x16e: {  	[tilespmem:s2], [sflag:$0x1] =	stream.indirect.gather [spmem:s6], $0x20, s20, s31, $0xb8;
	[tilespmem:$0x1DA30] =	vst v63  }
0x16f: {  	_ =	swait.ge [sflag:s21], $0x1000  }
0x170: {  	[sflag:s21] =	ssyncset.done $0x0  }
0x171: {  	[sflag:s21] =	ssyncadd.s32 $0xFFFFF000  }
0x172: {  	[spmem:s5] =	stream.indirect.scatter.add.f32 [tilespmem:s2], [sflag:$0x1], $0x20, s28, s31, $0xb8;
	[tilespmem:$0x1DA30] =	vst v63  }
0x173: {  	_ =	swait.ge [sflag:s21], $0x1000  }
0x174: {  	[sflag:s21] =	ssyncset.done $0x0  }
0x175: {  	[sflag:s21] =	ssyncadd.s32 $0xFFFFF000  }
0x176: {  	[tilespmem:s2], [sflag:$0x1] =	stream.indirect.gather [spmem:s6], $0x20, s9, s31, $0xb8;
	[tilespmem:$0x1DA30] =	vst v63  }
0x177: {  	_ =	swait.ge [sflag:s21], $0x1000  }
0x178: {  	[sflag:s21] =	ssyncset.done $0x0  }
0x179: {  	[sflag:s21] =	ssyncadd.s32 $0xFFFFF000  }
0x17a: {  	[spmem:s5] =	stream.indirect.scatter.add.f32 [tilespmem:s2], [sflag:$0x1], $0x20, s10, s31, $0xb8;
	[tilespmem:$0x1DA30] =	vst v63  }
0x17b: {  	_ =	swait.ge [sflag:s21], $0x1000  }
0x17c: {  	[sflag:s21] =	ssyncset.done $0x0  }
0x17d: {  	[sflag:s21] =	ssyncadd.s32 $0xFFFFF000  }
0x17e: {  	[tilespmem:s2], [sflag:$0x1] =	stream.indirect.gather [spmem:s6], $0x20, s11, s31, $0xb8;
	[tilespmem:$0x1DA30] =	vst v63  }
0x17f: {  	_ =	swait.ge [sflag:s21], $0x1000  }
0x180: {  	[sflag:s21] =	ssyncset.done $0x0  }
0x181: {  	[sflag:s21] =	ssyncadd.s32 $0xFFFFF000  }
0x182: {  	[spmem:s5] =	stream.indirect.scatter.add.f32 [tilespmem:s2], [sflag:$0x1], $0x20, s12, s31, $0xb8;
	[tilespmem:$0x1DA30] =	vst v63  }
0x183: {  	_ =	swait.ge [sflag:s21], $0x1000  }
0x184: {  	[sflag:s21] =	ssyncset.done $0x0  }
0x185: {  	[sflag:s21] =	ssyncadd.s32 $0xFFFFF000  }
0x186: {  	[tilespmem:s2], [sflag:$0x1] =	stream.indirect.gather [spmem:s6], $0x20, s13, s31, $0xb8;
	[tilespmem:$0x1DA30] =	vst v63  }
0x187: {  	_ =	swait.ge [sflag:s21], $0x1000  }
0x188: {  	[sflag:s21] =	ssyncset.done $0x0  }
0x189: {  	[sflag:s21] =	ssyncadd.s32 $0xFFFFF000  }
0x18a: {  	[spmem:s5] =	stream.indirect.scatter.add.f32 [tilespmem:s2], [sflag:$0x1], $0x20, s16, s31, $0xb8;
	[tilespmem:$0x1DA30] =	vst v63  }
0x18b: {  	_ =	swait.ge [sflag:s21], $0x1000  }
0x18c: {  	[sflag:s21] =	ssyncset.done $0x0  }
0x18d: {  	[sflag:s21] =	ssyncadd.s32 $0xFFFFF000  }
0x18e: {  	[tilespmem:s2], [sflag:$0x1] =	stream.indirect.gather [spmem:s6], $0x20, s17, s31, $0xb8;
	[tilespmem:$0x1DA30] =	vst v63  }
0x18f: {  	_ =	swait.ge [sflag:s21], $0x1000  }
0x190: {  	[sflag:s21] =	ssyncset.done $0x0  }
0x191: {  	[sflag:s21] =	ssyncadd.s32 $0xFFFFF000  }
0x192: {  	[spmem:s5] =	stream.indirect.scatter.add.f32 [tilespmem:s2], [sflag:$0x1], $0x20, s3, s31, $0xb8;
	[tilespmem:$0x1DA30] =	vst v63  }
0x193: {  	_ =	swait.ge [sflag:s21], $0x1000  }
0x194: {  	[sflag:s21] =	ssyncset.done $0x0  }
0x195: {  	[sflag:s21] =	ssyncadd.s32 $0xFFFFF000  }
0x196: {  	[tilespmem:s2], [sflag:$0x1] =	stream.indirect.gather [spmem:s6], $0x20, s24, s31, $0xb8;
	[tilespmem:$0x1DA30] =	vst v63  }
0x197: {  	_ =	swait.ge [sflag:s21], $0x1000  }
0x198: {  	[sflag:s21] =	ssyncset.done $0x0  }
0x199: {  	[sflag:s21] =	ssyncadd.s32 $0xFFFFF000  }
0x19a: {  	[spmem:s5] =	stream.indirect.scatter.add.f32 [tilespmem:s2], [sflag:$0x1], $0x20, s25, s31, $0xb8;
	[tilespmem:$0x1DA30] =	vst v63  }
0x19b: {  	_ =	swait.ge [sflag:s21], $0x1000  }
0x19c: {  	s15 =	simm.s32 $0x80;
	s4 =	simm.s32 $0x100;
	[sflag:s21] =	ssyncset.done $0x0  }
.LBB2_35:
0x19d: {  	s8 =	sadd.s32 s15, s19  }
0x19e: {  	[sflag:s21] =	ssyncadd.s32 $0xFFFFF000;
	s14 =	smov.u32 s4;
	s22 =	sadd.s32 $0x80, s4  }
0x19f: {  	[tilespmem:s7], [sflag:$0x1] =	stream.linear.gather [hbm4b:s8+s7], $0x400, $0x38;
	[tilespmem:$0x1DA30] =	vst v63  }
0x1a0: {  	p1 =	sne.s32 s4, $0x980;
	_ =	swait.ge [sflag:s21], $0x400  }
0x1a1: {  	[sflag:s21] =	ssyncset.done $0x0  }
0x1a2: {  	s4 =	sadd.s32 s15, s18;
	s15 =	smov.u32 s14;
	[sflag:s21] =	ssyncadd.s32 $0xFFFFFC00  }
0x1a3: {  	[tilespmem:s30], [sflag:$0x1] =	stream.linear.gather [hbm4b:s4+s7], $0x400, $0x38;
	[tilespmem:$0x1DA30] =	vst v63  }
0x1a4: {  	_ =	swait.ge [sflag:s21], $0x400  }
0x1a5: {  	[sflag:s21] =	ssyncset.done $0x0  }
0x1a6: {  	[sflag:s21] =	ssyncadd.s32 $0xFFFFFC00  }
0x1a7: {  	[tilespmem:s2], [sflag:$0x1] =	stream.indirect.gather [spmem:s6], $0x20, s7, s31, $0xb8;
	[tilespmem:$0x1DA30] =	vst v63  }
0x1a8: {  	_ =	swait.ge [sflag:s21], $0x1000  }
0x1a9: {  	[sflag:s21] =	ssyncset.done $0x0  }
0x1aa: {  	[sflag:s21] =	ssyncadd.s32 $0xFFFFF000  }
0x1ab: {  	[spmem:s5] =	stream.indirect.scatter.add.f32 [tilespmem:s2], [sflag:$0x1], $0x20, s30, s31, $0xb8;
	[tilespmem:$0x1DA30] =	vst v63  }
0x1ac: {  	_ =	swait.ge [sflag:s21], $0x1000  }
0x1ad: {  	[sflag:s21] =	ssyncset.done $0x0  }
0x1ae: {  	[sflag:s21] =	ssyncadd.s32 $0xFFFFF000  }
0x1af: {  	[tilespmem:s2], [sflag:$0x1] =	stream.indirect.gather [spmem:s6], $0x20, s31, s31, $0xb8;
	[tilespmem:$0x1DA30] =	vst v63  }
0x1b0: {  	_ =	swait.ge [sflag:s21], $0x1000  }
0x1b1: {  	[sflag:s21] =	ssyncset.done $0x0  }
0x1b2: {  	[sflag:s21] =	ssyncadd.s32 $0xFFFFF000  }
0x1b3: {  	[spmem:s5] =	stream.indirect.scatter.add.f32 [tilespmem:s2], [sflag:$0x1], $0x20, s0, s31, $0xb8;
	[tilespmem:$0x1DA30] =	vst v63  }
0x1b4: {  	_ =	swait.ge [sflag:s21], $0x1000  }
0x1b5: {  	[sflag:s21] =	ssyncset.done $0x0  }
0x1b6: {  	[sflag:s21] =	ssyncadd.s32 $0xFFFFF000  }
0x1b7: {  	[tilespmem:s2], [sflag:$0x1] =	stream.indirect.gather [spmem:s6], $0x20, s20, s31, $0xb8;
	[tilespmem:$0x1DA30] =	vst v63  }
0x1b8: {  	_ =	swait.ge [sflag:s21], $0x1000  }
0x1b9: {  	[sflag:s21] =	ssyncset.done $0x0  }
0x1ba: {  	[sflag:s21] =	ssyncadd.s32 $0xFFFFF000  }
0x1bb: {  	[spmem:s5] =	stream.indirect.scatter.add.f32 [tilespmem:s2], [sflag:$0x1], $0x20, s28, s31, $0xb8;
	[tilespmem:$0x1DA30] =	vst v63  }
0x1bc: {  	_ =	swait.ge [sflag:s21], $0x1000  }
0x1bd: {  	[sflag:s21] =	ssyncset.done $0x0  }
0x1be: {  	[sflag:s21] =	ssyncadd.s32 $0xFFFFF000  }
0x1bf: {  	[tilespmem:s2], [sflag:$0x1] =	stream.indirect.gather [spmem:s6], $0x20, s9, s31, $0xb8;
	[tilespmem:$0x1DA30] =	vst v63  }
0x1c0: {  	_ =	swait.ge [sflag:s21], $0x1000  }
0x1c1: {  	[sflag:s21] =	ssyncset.done $0x0  }
0x1c2: {  	[sflag:s21] =	ssyncadd.s32 $0xFFFFF000  }
0x1c3: {  	[spmem:s5] =	stream.indirect.scatter.add.f32 [tilespmem:s2], [sflag:$0x1], $0x20, s10, s31, $0xb8;
	[tilespmem:$0x1DA30] =	vst v63  }
0x1c4: {  	_ =	swait.ge [sflag:s21], $0x1000  }
0x1c5: {  	[sflag:s21] =	ssyncset.done $0x0  }
0x1c6: {  	[sflag:s21] =	ssyncadd.s32 $0xFFFFF000  }
0x1c7: {  	[tilespmem:s2], [sflag:$0x1] =	stream.indirect.gather [spmem:s6], $0x20, s11, s31, $0xb8;
	[tilespmem:$0x1DA30] =	vst v63  }
0x1c8: {  	_ =	swait.ge [sflag:s21], $0x1000  }
0x1c9: {  	[sflag:s21] =	ssyncset.done $0x0  }
0x1ca: {  	[sflag:s21] =	ssyncadd.s32 $0xFFFFF000  }
0x1cb: {  	[spmem:s5] =	stream.indirect.scatter.add.f32 [tilespmem:s2], [sflag:$0x1], $0x20, s12, s31, $0xb8;
	[tilespmem:$0x1DA30] =	vst v63  }
0x1cc: {  	_ =	swait.ge [sflag:s21], $0x1000  }
0x1cd: {  	[sflag:s21] =	ssyncset.done $0x0  }
0x1ce: {  	[sflag:s21] =	ssyncadd.s32 $0xFFFFF000  }
0x1cf: {  	[tilespmem:s2], [sflag:$0x1] =	stream.indirect.gather [spmem:s6], $0x20, s13, s31, $0xb8;
	[tilespmem:$0x1DA30] =	vst v63  }
0x1d0: {  	_ =	swait.ge [sflag:s21], $0x1000  }
0x1d1: {  	[sflag:s21] =	ssyncset.done $0x0  }
0x1d2: {  	[sflag:s21] =	ssyncadd.s32 $0xFFFFF000  }
0x1d3: {  	[spmem:s5] =	stream.indirect.scatter.add.f32 [tilespmem:s2], [sflag:$0x1], $0x20, s16, s31, $0xb8;
	[tilespmem:$0x1DA30] =	vst v63  }
0x1d4: {  	_ =	swait.ge [sflag:s21], $0x1000  }
0x1d5: {  	[sflag:s21] =	ssyncset.done $0x0  }
0x1d6: {  	[sflag:s21] =	ssyncadd.s32 $0xFFFFF000  }
0x1d7: {  	[tilespmem:s2], [sflag:$0x1] =	stream.indirect.gather [spmem:s6], $0x20, s17, s31, $0xb8;
	[tilespmem:$0x1DA30] =	vst v63  }
0x1d8: {  	_ =	swait.ge [sflag:s21], $0x1000  }
0x1d9: {  	[sflag:s21] =	ssyncset.done $0x0  }
0x1da: {  	[sflag:s21] =	ssyncadd.s32 $0xFFFFF000  }
0x1db: {  	[spmem:s5] =	stream.indirect.scatter.add.f32 [tilespmem:s2], [sflag:$0x1], $0x20, s3, s31, $0xb8;
	[tilespmem:$0x1DA30] =	vst v63  }
0x1dc: {  	_ =	swait.ge [sflag:s21], $0x1000  }
0x1dd: {  	[sflag:s21] =	ssyncset.done $0x0  }
0x1de: {  	[sflag:s21] =	ssyncadd.s32 $0xFFFFF000  }
0x1df: {  	[tilespmem:s2], [sflag:$0x1] =	stream.indirect.gather [spmem:s6], $0x20, s24, s31, $0xb8;
	[tilespmem:$0x1DA30] =	vst v63  }
0x1e0: {  	_ =	swait.ge [sflag:s21], $0x1000  }
.Ltmp16:
0x1e1: {  	[sflag:s21] =	ssyncset.done $0x0;
	(pc) =	sbr.rel @p1 .LBB2_35-.Ltmp16, $4  }
0x1e2: {  	[sflag:s21] =	ssyncadd.s32 $0xFFFFF000  }
0x1e3: {  	[spmem:s5] =	stream.indirect.scatter.add.f32 [tilespmem:s2], [sflag:$0x1], $0x20, s25, s31, $0xb8;
	[tilespmem:$0x1DA30] =	vst v63  }
0x1e4: {  	_ =	swait.ge [sflag:s21], $0x1000  }
0x1e5: {  	s4 =	smov.u32 s22;
	[sflag:s21] =	ssyncset.done $0x0  }
0x1e6: {  	s4 =	sadd.s32 s15, s19;
	[sflag:s21] =	ssyncadd.s32 $0xFFFFF000  }
0x1e7: {  	[tilespmem:s7], [sflag:$0x1] =	stream.linear.gather [hbm4b:s4+s7], $0x400, $0x38;
	[tilespmem:$0x1DA30] =	vst v63  }
0x1e8: {  	_ =	swait.ge [sflag:s21], $0x400  }
0x1e9: {  	[sflag:s21] =	ssyncset.done $0x0  }
0x1ea: {  	s15 =	sadd.s32 s15, s18;
	[sflag:s21] =	ssyncadd.s32 $0xFFFFFC00  }
0x1eb: {  	[tilespmem:s30], [sflag:$0x1] =	stream.linear.gather [hbm4b:s15+s7], $0x400, $0x38;
	[tilespmem:$0x1DA30] =	vst v63  }
0x1ec: {  	_ =	swait.ge [sflag:s21], $0x400  }
0x1ed: {  	[sflag:s21] =	ssyncset.done $0x0  }
0x1ee: {  	[sflag:s21] =	ssyncadd.s32 $0xFFFFFC00  }
0x1ef: {  	[tilespmem:s2], [sflag:$0x1] =	stream.indirect.gather [spmem:s6], $0x20, s7, s31, $0xb8;
	[tilespmem:$0x1DA30] =	vst v63  }
0x1f0: {  	_ =	swait.ge [sflag:s21], $0x1000  }
0x1f1: {  	[sflag:s21] =	ssyncset.done $0x0  }
0x1f2: {  	[sflag:s21] =	ssyncadd.s32 $0xFFFFF000  }
0x1f3: {  	[spmem:s5] =	stream.indirect.scatter.add.f32 [tilespmem:s2], [sflag:$0x1], $0x20, s30, s31, $0xb8;
	[tilespmem:$0x1DA30] =	vst v63  }
0x1f4: {  	_ =	swait.ge [sflag:s21], $0x1000  }
0x1f5: {  	[sflag:s21] =	ssyncset.done $0x0  }
0x1f6: {  	[sflag:s21] =	ssyncadd.s32 $0xFFFFF000  }
0x1f7: {  	[tilespmem:s2], [sflag:$0x1] =	stream.indirect.gather [spmem:s6], $0x20, s31, s31, $0xb8;
	[tilespmem:$0x1DA30] =	vst v63  }
0x1f8: {  	_ =	swait.ge [sflag:s21], $0x1000  }
0x1f9: {  	[sflag:s21] =	ssyncset.done $0x0  }
0x1fa: {  	[sflag:s21] =	ssyncadd.s32 $0xFFFFF000  }
0x1fb: {  	[spmem:s5] =	stream.indirect.scatter.add.f32 [tilespmem:s2], [sflag:$0x1], $0x20, s0, s31, $0xb8;
	[tilespmem:$0x1DA30] =	vst v63  }
0x1fc: {  	_ =	swait.ge [sflag:s21], $0x1000  }
0x1fd: {  	[sflag:s21] =	ssyncset.done $0x0  }
0x1fe: {  	[sflag:s21] =	ssyncadd.s32 $0xFFFFF000  }
0x1ff: {  	[tilespmem:s2], [sflag:$0x1] =	stream.indirect.gather [spmem:s6], $0x20, s20, s31, $0xb8;
	[tilespmem:$0x1DA30] =	vst v63  }
0x200: {  	_ =	swait.ge [sflag:s21], $0x1000  }
0x201: {  	[sflag:s21] =	ssyncset.done $0x0  }
0x202: {  	[sflag:s21] =	ssyncadd.s32 $0xFFFFF000  }
0x203: {  	[spmem:s5] =	stream.indirect.scatter.add.f32 [tilespmem:s2], [sflag:$0x1], $0x20, s28, s31, $0xb8;
	[tilespmem:$0x1DA30] =	vst v63  }
0x204: {  	_ =	swait.ge [sflag:s21], $0x1000  }
0x205: {  	[sflag:s21] =	ssyncset.done $0x0  }
0x206: {  	[sflag:s21] =	ssyncadd.s32 $0xFFFFF000  }
0x207: {  	[tilespmem:s2], [sflag:$0x1] =	stream.indirect.gather [spmem:s6], $0x20, s9, s31, $0xb8;
	[tilespmem:$0x1DA30] =	vst v63  }
0x208: {  	_ =	swait.ge [sflag:s21], $0x1000  }
0x209: {  	[sflag:s21] =	ssyncset.done $0x0  }
0x20a: {  	[sflag:s21] =	ssyncadd.s32 $0xFFFFF000  }
0x20b: {  	[spmem:s5] =	stream.indirect.scatter.add.f32 [tilespmem:s2], [sflag:$0x1], $0x20, s10, s31, $0xb8;
	[tilespmem:$0x1DA30] =	vst v63  }
0x20c: {  	_ =	swait.ge [sflag:s21], $0x1000  }
0x20d: {  	[sflag:s21] =	ssyncset.done $0x0  }
0x20e: {  	[sflag:s21] =	ssyncadd.s32 $0xFFFFF000  }
0x20f: {  	[tilespmem:s2], [sflag:$0x1] =	stream.indirect.gather [spmem:s6], $0x20, s11, s31, $0xb8;
	[tilespmem:$0x1DA30] =	vst v63  }
0x210: {  	_ =	swait.ge [sflag:s21], $0x1000  }
0x211: {  	[sflag:s21] =	ssyncset.done $0x0  }
0x212: {  	[sflag:s21] =	ssyncadd.s32 $0xFFFFF000  }
0x213: {  	[spmem:s5] =	stream.indirect.scatter.add.f32 [tilespmem:s2], [sflag:$0x1], $0x20, s12, s31, $0xb8;
	[tilespmem:$0x1DA30] =	vst v63  }
0x214: {  	_ =	swait.ge [sflag:s21], $0x1000  }
0x215: {  	[sflag:s21] =	ssyncset.done $0x0  }
0x216: {  	[sflag:s21] =	ssyncadd.s32 $0xFFFFF000  }
0x217: {  	[tilespmem:s2], [sflag:$0x1] =	stream.indirect.gather [spmem:s6], $0x20, s13, s31, $0xb8;
	[tilespmem:$0x1DA30] =	vst v63  }
0x218: {  	_ =	swait.ge [sflag:s21], $0x1000  }
0x219: {  	[sflag:s21] =	ssyncset.done $0x0  }
0x21a: {  	[sflag:s21] =	ssyncadd.s32 $0xFFFFF000  }
0x21b: {  	[spmem:s5] =	stream.indirect.scatter.add.f32 [tilespmem:s2], [sflag:$0x1], $0x20, s16, s31, $0xb8;
	[tilespmem:$0x1DA30] =	vst v63  }
0x21c: {  	_ =	swait.ge [sflag:s21], $0x1000  }
0x21d: {  	[sflag:s21] =	ssyncset.done $0x0  }
0x21e: {  	[sflag:s21] =	ssyncadd.s32 $0xFFFFF000  }
0x21f: {  	[tilespmem:s2], [sflag:$0x1] =	stream.indirect.gather [spmem:s6], $0x20, s17, s31, $0xb8;
	[tilespmem:$0x1DA30] =	vst v63  }
0x220: {  	_ =	swait.ge [sflag:s21], $0x1000  }
0x221: {  	[sflag:s21] =	ssyncset.done $0x0  }
0x222: {  	[sflag:s21] =	ssyncadd.s32 $0xFFFFF000  }
0x223: {  	[spmem:s5] =	stream.indirect.scatter.add.f32 [tilespmem:s2], [sflag:$0x1], $0x20, s3, s31, $0xb8;
	[tilespmem:$0x1DA30] =	vst v63  }
0x224: {  	_ =	swait.ge [sflag:s21], $0x1000  }
0x225: {  	[sflag:s21] =	ssyncset.done $0x0  }
0x226: {  	[sflag:s21] =	ssyncadd.s32 $0xFFFFF000  }
0x227: {  	[tilespmem:s2], [sflag:$0x1] =	stream.indirect.gather [spmem:s6], $0x20, s24, s31, $0xb8;
	[tilespmem:$0x1DA30] =	vst v63  }
0x228: {  	_ =	swait.ge [sflag:s21], $0x1000  }
0x229: {  	[sflag:s21] =	ssyncset.done $0x0  }
0x22a: {  	[sflag:s21] =	ssyncadd.s32 $0xFFFFF000  }
0x22b: {  	[spmem:s5] =	stream.indirect.scatter.add.f32 [tilespmem:s2], [sflag:$0x1], $0x20, s25, s31, $0xb8;
	[tilespmem:$0x1DA30] =	vst v63  }
0x22c: {  	_ =	swait.ge [sflag:s21], $0x1000  }
0x22d: {  	[sflag:s21] =	ssyncset.done $0x0  }
0x22e: {  	[sflag:s21] =	ssyncadd.s32 $0xFFFFF000  }
0x22f: {  	[bflag:$0x0] =	sbarrier.arrive $0xFFFF  }
0x230: {  	s22 =	simm.s32 $0x0;
	s14 =	simm.s32 $0xA800;
	s8 =	rddreg [dreg:$0xd]  }
0x231: {  	v14 =	vmov s22;
	[tilespmem:s14], [sflag:$0x1] =	stream.linear.gather [spmem:s8], $0x5000, $0x38;
	[tilespmem:$0x1DA30] =	vst v63  }
0x232: {  	_ =	swait.ge [sflag:s21], $0x5000  }
0x233: {  	[sflag:s21] =	ssyncset.done $0x0  }
0x234: {  	s8 =	simm.s32 $0xA810;
	[sflag:s21] =	ssyncadd.s32 $0xFFFFB000  }
0x235: {  	v15 =	vld [tilespmem:s8+$0xFFFFFFF0]  }
0x236: {  	s15 =	simm.s32 $0x810;
	v14 =	vld.idx.msk [tilespmem:v14+s29+$0x0], $0xffff  }
0x237: {  	v16 =	vld [tilespmem:s15+$0xFFFFFFF0];
	_ =	sdelay $0x2  }
0x238: {  	s22 =	simm.s32 $0x5810  }
0x239: {  	v17 =	vld [tilespmem:s22+$0xFFFFFFF0]  }
0x23a: {  	v14 =	vmul.f32 $8.999999760e-01, v14;
	v15 =	vadd.f32 v16, v15;
	_ =	sdelay $0x1  }
0x23b: {  	v15 =	vmul.f32 v15, v14;
	_ =	sdelay $0x1  }
0x23c: {  	v15 =	vadd.f32 v15, v17;
	_ =	sdelay $0x1  }
0x23d: {  	[tilespmem:s15+$0xFFFFFFF0] =	vst v15  }
0x23e: {  	[tilespmem:s8+$0xFFFFFFF0] =	vst v0;
	v15 =	vld [tilespmem:s8+$0x0]  }
0x23f: {  	v16 =	vld [tilespmem:s15+$0x0];
	_ =	sdelay $0x3  }
0x240: {  	v17 =	vld [tilespmem:s22+$0x0]  }
0x241: {  	v15 =	vadd.f32 v16, v15;
	_ =	sdelay $0x1  }
0x242: {  	s14 =	simm.s32 $0x1;
	v15 =	vmul.f32 v15, v14  }
0x243: {  	v14 =	vmov s14  }
0x244: {  	v15 =	vadd.f32 v15, v17  }
0x245: {  	s4 =	simm.s32 $0x2;
	s14 =	simm.s32 $0xA810  }
.LBB2_37:
0x246: {  	p1 =	sne.s32 s4, $0x27F;
	[tilespmem:s15+$0x0] =	vst v15;
	s8 =	sadd.s32 $0x20, s8  }
0x247: {  	v15 =	vld [tilespmem:s8+$0xFFFFFFF0];
	[tilespmem:s14+$0x0] =	vst v0;
	s14 =	smov.u32 s8  }
0x248: {  	s15 =	sadd.s32 $0x20, s15;
	v14 =	vld.idx.msk [tilespmem:v14+s29+$0x0], $0xffff  }
0x249: {  	s22 =	sadd.s32 $0x20, s22;
	v16 =	vld [tilespmem:s15+$0xFFFFFFF0]  }
0x24a: {  	v17 =	vld [tilespmem:s22+$0xFFFFFFF0];
	_ =	sdelay $0x3  }
0x24b: {  	v14 =	vmul.f32 $8.999999760e-01, v14;
	v15 =	vadd.f32 v16, v15;
	_ =	sdelay $0x1  }
0x24c: {  	v15 =	vmul.f32 v15, v14;
	_ =	sdelay $0x1  }
0x24d: {  	v15 =	vadd.f32 v15, v17;
	_ =	sdelay $0x1  }
0x24e: {  	[tilespmem:s15+$0xFFFFFFF0] =	vst v15  }
0x24f: {  	[tilespmem:s8+$0xFFFFFFF0] =	vst v0;
	v15 =	vld [tilespmem:s8+$0x0]  }
0x250: {  	v16 =	vld [tilespmem:s15+$0x0]  }
0x251: {  	v17 =	vld [tilespmem:s22+$0x0];
	_ =	sdelay $0x3  }
0x252: {  	v15 =	vadd.f32 v16, v15  }
.Ltmp17:
0x253: {  	(pc) =	sbr.rel @p1 .LBB2_37-.Ltmp17, $4  }
0x254: {  	v15 =	vmul.f32 v15, v14  }
0x255: {  	v14 =	vmov s4  }
0x256: {  	v15 =	vadd.f32 v15, v17  }
0x257: {  	s4 =	sadd.s32 $0x1, s4  }
0x258: {  	_ =	sdelay $0x1  }
0x259: {  	[tilespmem:s15+$0x0] =	vst v15;
	s4 =	sadd.s32 $0x20, s8  }
0x25a: {  	v15 =	vld [tilespmem:s4+$0xFFFFFFF0];
	[tilespmem:s14+$0x0] =	vst v0  }
0x25b: {  	s15 =	sadd.s32 $0x20, s15;
	v14 =	vld.idx.msk [tilespmem:v14+s29+$0x0], $0xffff  }
0x25c: {  	v16 =	vld [tilespmem:s15+$0xFFFFFFF0];
	_ =	sdelay $0x2  }
0x25d: {  	s22 =	sadd.s32 $0x20, s22  }
0x25e: {  	v17 =	vld [tilespmem:s22+$0xFFFFFFF0]  }
0x25f: {  	v14 =	vmul.f32 $8.999999760e-01, v14;
	v15 =	vadd.f32 v16, v15;
	_ =	sdelay $0x1  }
0x260: {  	v15 =	vmul.f32 v15, v14;
	_ =	sdelay $0x1  }
0x261: {  	v15 =	vadd.f32 v15, v17;
	_ =	sdelay $0x1  }
0x262: {  	[tilespmem:s15+$0xFFFFFFF0] =	vst v15  }
0x263: {  	[tilespmem:s4+$0xFFFFFFF0] =	vst v0;
	v15 =	vld [tilespmem:s4+$0x0]  }
0x264: {  	v62 =	vld [tilespmem:s15+$0x0];
	_ =	sdelay $0x3  }
0x265: {  	v63 =	vld [tilespmem:s22+$0x0]  }
0x266: {  	v15 =	vadd.f32 v62, v15;
	_ =	sdelay $0x1  }
0x267: {  	v14 =	vmul.f32 v15, v14;
	_ =	sdelay $0x1  }
0x268: {  	v14 =	vadd.f32 v14, v63;
	_ =	sdelay $0x1  }
0x269: {  	[tilespmem:s15+$0x0] =	vst v14  }
0x26a: {  	s8 =	rddreg [dreg:$0xd];
	s14 =	simm.s32 $0xA800;
	[tilespmem:s4+$0x0] =	vst v0  }
0x26b: {  	[spmem:s8] =	stream.linear.scatter [tilespmem:s14], [sflag:$0x1], $0x5000, $0x38;
	[tilespmem:$0x1DA30] =	vst v63  }
0x26c: {  	s1 =	sadd.s32 $0x1, s1;
	_ =	swait.ge [sflag:s21], $0x5000  }
0x26d: {  	p1 =	sne.s32 s1, $0xA;
	[sflag:s21] =	ssyncset.done $0x0  }
0x26e: {  	s22 =	simm.s32 $0x800;
	s15 =	rddreg [dreg:$0xe];
	[sflag:s21] =	ssyncadd.s32 $0xFFFFB000  }
0x26f: {  	[spmem:s15] =	stream.linear.scatter [tilespmem:s22], [sflag:$0x1], $0x5000, $0x38;
	[tilespmem:$0x1DA30] =	vst v63  }
.Ltmp18:
0x270: {  	_ =	swait.ge [sflag:s21], $0x5000;
	(pc) =	sbr.rel @p1 .LBB2_34-.Ltmp18, $3  }
0x271: {  	[sflag:s21] =	ssyncset.done $0x0  }
0x272: {  	[sflag:s21] =	ssyncadd.s32 $0xFFFFB000  }
0x273: {  	[bflag:$0x0] =	sbarrier.arrive $0xFFFF;
	_ =	sdelay $0x1  }
0x274: {  	s1 =	rddreg [dreg:$0xf];
	s4 =	simm.s32 $0x800  }
0x275: {  	[hbm4b:s1+s7] =	stream.linear.scatter [tilespmem:s4], [sflag:$0x1], $0x5000, $0x38;
	[tilespmem:$0x1DA30] =	vst v63  }
0x276: {  	_ =	swait.ge [sflag:s21], $0x5000  }
0x277: {  	s15 =	rddreg [dreg:$0x11]  }
0x278: {  	s22 =	rddreg [dreg:$0x10];
	s4 =	sadd.s32 $0x1, s15  }
0x279: {  	p1 =	sne.s32 s4, s22  }
.Ltmp19:
0x27a: {  	[sflag:s21] =	ssyncset.done $0x0;
	(pc) =	sbr.rel @p1 .LBB2_1-.Ltmp19, $4  }
0x27b: {  	[sflag:s21] =	ssyncadd.s32 $0xFFFFB000  }
0x27c: {  	s14 =	rddreg [dreg:$0x1]  }
0x27d: {  	s15 =	rddreg [dreg:$0x2]  }
0x27e: {  	s22 =	rddreg [dreg:$0x6]  }
0x27f: {  	_ =	sfence.sel $0x180000  }
0x280: {  	[bflag:$0x0] =	sbarrier.arrive $0xFFFF  }
0x281: {  	_ =	strace $0x90000047  }
0x282: {  	s0 =	stileid.u32;
	[bflag:$0x2] =	sbarrier.arrive $0xFFFF  }
0x283: {  	p0 =	sne.s32 s0, $0x0;
	s0 =	rddreg [dreg:$0x5]  }
0x284: {  	s0 =	sadd.s32 @!p0 $0x100000, s0  }
0x285: {  	[sflag:s0] =	ssyncadd.tile.s32 @!p0 $0x1;
	_ =	shalt  }
.Lfunc_end2:
_tile_overlayer_lowered:
.L_overlay_start_2:
0x286: {  	(tag) =	ssettag $0x2  }
0x287: {  	s0 =	rddreg [dreg:$0x0];
	s2 =	stileid.u32  }
0x288: {  	s1 =	rddreg [dreg:$0x1];
	p0 =	sne.s32 s2, $0x0  }
0x289: {  	s3 =	rddreg [dreg:$0x2];
	[bflag:$0x3] =	sbarrier.arrive $0xFFFF;
	s2 =	simm.s32 @!p0 $0x1C01  }
0x28a: {  	[timem:s3], [sflag:s2] =	dma.local @!p0 [hbm:s0], s1  }
0x28b: {  	s0 =	simm.s32 @!p0 $0x1  }
0x28c: {  	_ =	swait.ge @!p0 [sflag:s0], s1  }
0x28d: {  	s1 =	ssub.s32 @!p0 $0x0, s1;
	[sflag:s0] =	ssyncset.done @!p0 $0x0  }
0x28e: {  	[sflag:s0] =	ssyncadd.s32 @!p0 s1  }
0x28f: {  	[bflag:$0x3] =	sbarrier.arrive $0xFFFF  }
0x290: {  	_ =	shalt  }

</sc_bundles>
